<compile_context>
chip_gen: v7x
topology: tpu7x:2x2x1
jax: 0.10.2.dev20260603
libtpu: 0.0.44.dev20260713+nightly
codegen_flags: <defaults>
</compile_context>

<pallas_src>
import functools

import jax
import jax.numpy as jnp
from jax import lax
from jax.experimental import pallas as pl
from jax.experimental.pallas import tpu as pltpu
from jax.experimental.pallas import tpu_sc as plsc

N = 10000
E = 320000
D = 128
DH = D // 2
NC, NS, L = 2, 16, 16
NW = NC * NS
K = 128
CW = 80
EP = NW * CW * K
KR = 64
CWF = 320
NACC = 10240
RPT = NACC // NS
NACC_R = 10112
RPT_R = NACC_R // NS
DUMMY = N
RB = 400
G = N // RB

_mesh = plsc.VectorSubcoreMesh(core_axis_name="c", subcore_axis_name="s")
NBUF = 4
RBUF = 2
GG = 16



@functools.partial(
    pl.kernel,
    out_type=jax.ShapeDtypeStruct((NC, NACC), jnp.float32),
    mesh=_mesh,
    scratch_types=[
        pltpu.VMEM((CW, K), jnp.int32),
        pltpu.VMEM((K,), jnp.float32),
        pltpu.VMEM_SHARED((NACC,), jnp.float32),
        pltpu.SemaphoreType.DMA,
    ],
)
def _sc_deg(colp_hbm, z1_hbm, out_hbm, colb, oneb, acc, sem):
    cid = lax.axis_index("c")
    sid = lax.axis_index("s")
    wid = sid * NC + cid
    pltpu.sync_copy(z1_hbm.at[pl.ds(sid * RPT, RPT)],
                    acc.at[pl.ds(sid * RPT, RPT)])
    pltpu.sync_copy(colp_hbm.at[wid], colb)
    for t in range(K // L):
        oneb[pl.ds(t * L, L)] = jnp.ones((L,), jnp.float32)
    plsc.subcore_barrier()

    def fire(j, carry):
        pltpu.async_copy(oneb, acc.at[colb.at[j]], sem, add=True)
        return carry

    lax.fori_loop(0, CW, fire, 0)

    def drain(j, carry):
        pltpu.make_async_copy(oneb, acc.at[colb.at[j]], sem).wait()
        return carry

    lax.fori_loop(0, CW, drain, 0)
    plsc.subcore_barrier()
    pltpu.sync_copy(acc.at[pl.ds(sid * RPT, RPT)],
                    out_hbm.at[cid, pl.ds(sid * RPT, RPT)])


@functools.partial(
    pl.kernel,
    out_type=jax.ShapeDtypeStruct((NC, NACC), jnp.float32),
    mesh=_mesh,
    scratch_types=[
        pltpu.VMEM((CW, K), jnp.int32),
        pltpu.VMEM((CW, K), jnp.int32),
        pltpu.VMEM((K,), jnp.float32),
        pltpu.VMEM((K,), jnp.float32),
        pltpu.VMEM((K,), jnp.float32),
        pltpu.VMEM((K,), jnp.float32),
        pltpu.SemaphoreType.DMA,
        pltpu.SemaphoreType.DMA,
        pltpu.SemaphoreType.DMA,
        pltpu.SemaphoreType.DMA,
        pltpu.VMEM_SHARED((NACC,), jnp.float32),
    ],
)
def _sc_scalar_agg(sp_hbm, rowp_hbm, colp_hbm, z1_hbm, out_hbm,
                   rowb, colb, v0, v1, v2, v3, s0, s1, s2, s3, acc):
    valbs = (v0, v1, v2, v3)
    sems = (s0, s1, s2, s3)
    cid = lax.axis_index("c")
    sid = lax.axis_index("s")
    wid = sid * NC + cid
    pltpu.sync_copy(z1_hbm.at[pl.ds(sid * RPT, RPT)],
                    acc.at[pl.ds(sid * RPT, RPT)])
    pltpu.sync_copy(rowp_hbm.at[wid], rowb)
    pltpu.sync_copy(colp_hbm.at[wid], colb)
    plsc.subcore_barrier()

    for b in range(NBUF):
        pltpu.async_copy(sp_hbm.at[rowb.at[b]], valbs[b], sems[b])

    def step(i, carry):
        for b in range(NBUF):
            j = i * NBUF + b
            pltpu.make_async_copy(sp_hbm.at[rowb.at[j]], valbs[b],
                                  sems[b]).wait()
            pltpu.sync_copy(valbs[b], acc.at[colb.at[j]], add=True)
            jn = j + NBUF

            @pl.when(jn < CW)
            def _():
                pltpu.async_copy(sp_hbm.at[rowb.at[jn]], valbs[b], sems[b])
        return carry

    lax.fori_loop(0, CW // NBUF, step, 0)
    plsc.subcore_barrier()
    pltpu.sync_copy(acc.at[pl.ds(sid * RPT, RPT)],
                    out_hbm.at[cid, pl.ds(sid * RPT, RPT)])


@functools.partial(
    pl.kernel,
    out_type=jax.ShapeDtypeStruct((NC, NACC, D), jnp.float32),
    mesh=_mesh,
    scratch_types=[
        pltpu.VMEM((CW, K), jnp.int32),
        pltpu.VMEM((GG, K), jnp.int32),
        pltpu.VMEM((K, D), jnp.float32),
        pltpu.VMEM((K, D), jnp.float32),
        pltpu.SemaphoreType.DMA,
        pltpu.SemaphoreType.DMA,
        pltpu.VMEM_SHARED((NACC, D), jnp.float32),
    ],
)
def _sc_row_agg(hp_hbm, rowp_hbm, colp_hbm, z2_hbm, out_hbm,
                rowb, colg, m0, m1, s0, s1, acc):
    msgs = (m0, m1)
    sems = (s0, s1)
    cid = lax.axis_index("c")
    sid = lax.axis_index("s")
    wid = sid * NC + cid
    pltpu.sync_copy(z2_hbm.at[pl.ds(sid * RPT, RPT)],
                    acc.at[pl.ds(sid * RPT, RPT)])
    pltpu.sync_copy(rowp_hbm.at[wid], rowb)
    plsc.subcore_barrier()

    for b in range(RBUF):
        pltpu.async_copy(hp_hbm.at[rowb.at[b]], msgs[b], sems[b])

    def group(g, carry):
        pltpu.sync_copy(colp_hbm.at[wid, pl.ds(g * GG, GG)], colg)

        def step(i, carry2):
            for b in range(RBUF):
                jj = i * RBUF + b
                j = g * GG + jj
                pltpu.make_async_copy(hp_hbm.at[rowb.at[j]], msgs[b],
                                      sems[b]).wait()
                pltpu.sync_copy(msgs[b], acc.at[colg.at[jj]], add=True)
                jn = j + RBUF

                @pl.when(jn < CW)
                def _():
                    pltpu.async_copy(hp_hbm.at[rowb.at[jn]], msgs[b], sems[b])
            return carry2

        lax.fori_loop(0, GG // RBUF, step, 0)
        return carry

    lax.fori_loop(0, CW // GG, group, 0)
    plsc.subcore_barrier()
    pltpu.sync_copy(acc.at[pl.ds(sid * RPT, RPT)],
                    out_hbm.at[cid, pl.ds(sid * RPT, RPT)])



def _tc_prep_body(p0_ref, p1_ref, x_ref, w1_ref, hp_ref, dis_ref):
    deg = 1.0 + p0_ref[0, 0] + p1_ref[0, 0]
    dis = lax.rsqrt(deg)
    h = jnp.dot(x_ref[...], w1_ref[...], preferred_element_type=jnp.float32)
    hp_ref[...] = h * dis[:, None]
    dis_ref[0, 0] = dis


def _tc_mid_body(a0_ref, a1_ref, hp_ref, dis_ref, b1_ref, w2_ref, sp_ref):
    dis = dis_ref[0, 0]
    agg = a0_ref[...] + a1_ref[...] + hp_ref[...]
    out1 = agg * dis[:, None] + b1_ref[...]
    act = jnp.where(out1 >= 0, out1, 0.1 * out1)
    w2bar = jnp.mean(w2_ref[...], axis=1)
    s = jnp.sum(act * w2bar[None, :], axis=1)
    sp_ref[0, 0] = s * dis


def _tc_fin_body(q0_ref, q1_ref, sp_ref, dis_ref, b2_ref, out_ref):
    aggs = q0_ref[0, 0] + q1_ref[0, 0] + sp_ref[0, 0]
    out_ref[0, 0] = dis_ref[0, 0] * aggs + jnp.mean(b2_ref[...])


_blk_rb = pl.BlockSpec((1, 1, RB), lambda i: (i, 0, 0))
_blk_rows = pl.BlockSpec((RB, D), lambda i: (i, 0))
_blk_half = pl.BlockSpec((RB, DH), lambda i: (i, 0))
_blk_full = pl.BlockSpec((D, D), lambda i: (0, 0))
_blk_vec = pl.BlockSpec((1, D), lambda i: (0, 0))

_tc_prep = pl.pallas_call(
    _tc_prep_body,
    grid=(G,),
    in_specs=[_blk_rb, _blk_rb, _blk_rows, _blk_full],
    out_specs=[_blk_rows, _blk_rb],
    out_shape=[
        jax.ShapeDtypeStruct((N, D), jnp.float32),
        jax.ShapeDtypeStruct((G, 1, RB), jnp.float32),
    ],
)

_tc_mid = pl.pallas_call(
    _tc_mid_body,
    grid=(G,),
    in_specs=[_blk_rows, _blk_rows, _blk_rows, _blk_rb, _blk_vec, _blk_full],
    out_specs=[_blk_rb],
    out_shape=[jax.ShapeDtypeStruct((G, 1, RB), jnp.float32)],
)

_tc_fin = pl.pallas_call(
    _tc_fin_body,
    grid=(G,),
    in_specs=[_blk_rb, _blk_rb, _blk_rb, _blk_rb, _blk_vec],
    out_specs=[_blk_rb],
    out_shape=[jax.ShapeDtypeStruct((G, 1, RB), jnp.float32)],
)


def kernel(x, edge_index, W1, b1, W2, b2):
    row = edge_index[0]
    col = edge_index[1]
    row_p = jnp.concatenate([row, jnp.zeros((EP - E,), jnp.int32)])
    col_p = jnp.concatenate([col, jnp.full((EP - E,), DUMMY, jnp.int32)])
    rowp = row_p.reshape(NW, CW, K)
    colp = col_p.reshape(NW, CW, K)
    z1 = jnp.zeros((NACC,), jnp.float32)
    z2 = jnp.zeros((NACC, D), jnp.float32)

    degp = _sc_deg(colp, z1)
    p0 = degp[0, :N].reshape(G, 1, RB)
    p1 = degp[1, :N].reshape(G, 1, RB)
    hp, dis2 = _tc_prep(p0, p1, x, W1)
    aggp = _sc_row_agg(hp, rowp, colp, z2)
    (sp2,) = _tc_mid(aggp[0], aggp[1], hp, dis2, b1.reshape(1, D), W2)
    aggsp = _sc_scalar_agg(sp2.reshape(N), rowp, colp, z1)
    q0 = aggsp[0, :N].reshape(G, 1, RB)
    q1 = aggsp[1, :N].reshape(G, 1, RB)
    (fin2,) = _tc_fin(q0, q1, sp2, dis2, b2.reshape(1, D))
    return fin2.reshape(N)

# --- scband reference (transcript-rebuilt; emitter-appended) ---
"""Pipeline reference for scband-gcn-42657615184589 (READ-ONLY COPY).

The authoritative reference and input builder live on the scoring server;
editing this copy changes nothing except your own understanding.
"""

import jax, jax.numpy as jnp
import numpy as np

N_NODES = 10000
N_EDGES = 320000
D_IN = 128
D_HID = 128
D_OUT = 128


def gcn_conv(x, edge_index, W, b):
    # Faithful PyG GCNConv: add self-loops, symmetric degree normalization,
    # linear transform, scatter-add aggregation, bias.
    N = x.shape[0]
    loops = jnp.arange(N, dtype=edge_index.dtype)
    ei = jnp.concatenate([edge_index, jnp.stack([loops, loops])], axis=1)
    row, col = ei[0], ei[1]  # row = source, col = target
    deg = jax.ops.segment_sum(jnp.ones(ei.shape[1], dtype=x.dtype), col, num_segments=N)
    deg_inv_sqrt = jnp.where(deg > 0, 1.0 / jnp.sqrt(deg), 0.0)
    norm = deg_inv_sqrt[row] * deg_inv_sqrt[col]
    h = x @ W
    msgs = h[row] * norm[:, None]
    out = jax.ops.segment_sum(msgs, col, num_segments=N)
    return out + b


def setup_inputs(seed: int = 0) -> dict:
    key = jax.random.key(seed)
    k1, k2, k3, k4 = jax.random.split(key, 4)
    x = jax.random.normal(k1, (N_NODES, D_IN), dtype=jnp.float32)
    edge_index = jax.random.randint(k2, (2, N_EDGES), 0, N_NODES, dtype=jnp.int32)
    W1 = jax.random.normal(k3, (D_IN, D_HID), dtype=jnp.float32) * (1.0 / np.sqrt(D_IN))
    b1 = jnp.zeros((D_HID,), dtype=jnp.float32)
    W2 = jax.random.normal(k4, (D_HID, D_OUT), dtype=jnp.float32) * (1.0 / np.sqrt(D_HID))
    b2 = jnp.zeros((D_OUT,), dtype=jnp.float32)
    return {"x": x, "edge_index": edge_index, "W1": W1, "b1": b1, "W2": W2, "b2": b2}


def reference(x, edge_index, W1, b1, W2, b2):
    h = gcn_conv(x, edge_index, W1, b1)
    h = jnp.where(h >= 0, h, 0.1 * h)  # LeakyReLU(negative_slope=0.1)
    h = gcn_conv(h, edge_index, W2, b2)
    return h.mean(axis=1)

if __name__ == "__main__":
    import jax
    _d = setup_inputs()
    print(jax.jit(kernel)(*tuple(_d.values())))

</pallas_src>

<mosaic_0001>
#map = affine_map<(d0, d1) -> (0, 0)>
#map1 = affine_map<(d0, d1) -> (0, 0, 0)>
module attributes {stable_mosaic.version = 14 : i64} {
  func.func @_sc_row_agg(%arg0: i32, %arg1: i32, %arg2: memref<10000x128xf32, #tpu.memory_space<hbm>>, %arg3: memref<32x80x128xi32, #tpu.memory_space<hbm>>, %arg4: memref<32x80x128xi32, #tpu.memory_space<hbm>>, %arg5: memref<10240x128xf32, #tpu.memory_space<hbm>>, %arg6: memref<2x10240x128xf32, #tpu.memory_space<hbm>>, %arg7: memref<80x128xi32, #tpu.memory_space<vmem>>, %arg8: memref<16x128xi32, #tpu.memory_space<vmem>>, %arg9: memref<128x128xf32, #tpu.memory_space<vmem>>, %arg10: memref<128x128xf32, #tpu.memory_space<vmem>>, %arg11: memref<!tpu.dma_semaphore, #tpu.memory_space<semaphore_mem>>, %arg12: memref<!tpu.dma_semaphore, #tpu.memory_space<semaphore_mem>>, %arg13: memref<10240x128xf32, #tpu.memory_space<vmem_shared>>) attributes {dimension_semantics = [#tpu.dimension_semantics<core_parallel>, #tpu.dimension_semantics<subcore_parallel>], iteration_bounds = array<i64: 2, 16>, scalar_prefetch = 0 : i64, scratch_operands = 7 : i64, tpu.core_type = #tpu.core_type<sc_vector_subcore>, window_params = [{transform_indices = #map}, {transform_indices = #map1}, {transform_indices = #map1}, {transform_indices = #map}, {transform_indices = #map1}]} {
    %mul3A = arith.constant 2 : i32
    %mul3A_0 = arith.muli %arg1, %mul3A : i32
    %add3A = arith.addi %mul3A_0, %arg0 : i32
    %mul3A_1 = arith.constant 640 : i32
    %mul3A_2 = arith.muli %arg1, %mul3A_1 : i32
    %mul3A_3 = arith.constant 640 : i32
    %mul3A_4 = arith.muli %arg1, %mul3A_3 : i32
    "tpu.region"() ({
      %run_scoped3A = tpu.sem_alloc : memref<!tpu.dma_semaphore, #tpu.memory_space<semaphore_mem>>
      %dma_start3A_28 = arith.constant 0 : i32
      %dma_start3A_29 = tpu.memref_slice %arg13[%mul3A_4, %dma_start3A_28] : memref<10240x128xf32, #tpu.memory_space<vmem_shared>> -> memref<640x128xf32, #tpu.memory_space<vmem_shared>>
      %dma_start3A_30 = arith.constant 0 : i32
      %dma_start3A_31 = tpu.memref_slice %arg5[%mul3A_2, %dma_start3A_30] : memref<10240x128xf32, #tpu.memory_space<hbm>> -> memref<640x128xf32, #tpu.memory_space<hbm>>
      tpu.enqueue_dma source(%dma_start3A_31 : memref<640x128xf32, #tpu.memory_space<hbm>>) target(%dma_start3A_29 : memref<640x128xf32, #tpu.memory_space<vmem_shared>>) target_semaphore(%run_scoped3A : memref<!tpu.dma_semaphore, #tpu.memory_space<semaphore_mem>>)
      %dma_wait3A = arith.constant 0 : i32
      %dma_wait3A_32 = tpu.memref_slice %arg13[%mul3A_4, %dma_wait3A] : memref<10240x128xf32, #tpu.memory_space<vmem_shared>> -> memref<640x128xf32, #tpu.memory_space<vmem_shared>>
      %dma_wait3A_33 = arith.constant 0 : i32
      %dma_wait3A_34 = tpu.memref_slice %arg5[%mul3A_2, %dma_wait3A_33] : memref<10240x128xf32, #tpu.memory_space<hbm>> -> memref<640x128xf32, #tpu.memory_space<hbm>>
      tpu.wait_dma2 semaphore(%run_scoped3A : memref<!tpu.dma_semaphore, #tpu.memory_space<semaphore_mem>>) src(%dma_wait3A_34 : memref<640x128xf32, #tpu.memory_space<hbm>>) dst(%dma_wait3A_32 : memref<640x128xf32, #tpu.memory_space<vmem_shared>>)
      tpu.yield
    }) : () -> ()
    "tpu.region"() ({
      %run_scoped3A = tpu.sem_alloc : memref<!tpu.dma_semaphore, #tpu.memory_space<semaphore_mem>>
      %dma_start3A_28 = arith.constant 0 : i32
      %dma_start3A_29 = arith.constant 0 : i32
      %dma_start3A_30 = tpu.memref_slice %arg3[%add3A, %dma_start3A_28, %dma_start3A_29] : memref<32x80x128xi32, #tpu.memory_space<hbm>> -> memref<1x80x128xi32, #tpu.memory_space<hbm>>
      %dma_start3A_31 = tpu.memref_squeeze %dma_start3A_30 : memref<1x80x128xi32, #tpu.memory_space<hbm>> -> memref<80x128xi32, #tpu.memory_space<hbm>>
      %dma_start3A_32 = arith.constant 0 : i32
      %dma_start3A_33 = arith.constant 0 : i32
      %dma_start3A_34 = tpu.memref_slice %arg3[%add3A, %dma_start3A_32, %dma_start3A_33] : memref<32x80x128xi32, #tpu.memory_space<hbm>> -> memref<1x80x128xi32, #tpu.memory_space<hbm>>
      %dma_start3A_35 = tpu.memref_squeeze %dma_start3A_34 : memref<1x80x128xi32, #tpu.memory_space<hbm>> -> memref<80x128xi32, #tpu.memory_space<hbm>>
      tpu.enqueue_dma source(%dma_start3A_35 : memref<80x128xi32, #tpu.memory_space<hbm>>) target(%arg7 : memref<80x128xi32, #tpu.memory_space<vmem>>) target_semaphore(%run_scoped3A : memref<!tpu.dma_semaphore, #tpu.memory_space<semaphore_mem>>)
      %dma_wait3A = arith.constant 0 : i32
      %dma_wait3A_36 = arith.constant 0 : i32
      %dma_wait3A_37 = tpu.memref_slice %arg3[%add3A, %dma_wait3A, %dma_wait3A_36] : memref<32x80x128xi32, #tpu.memory_space<hbm>> -> memref<1x80x128xi32, #tpu.memory_space<hbm>>
      %dma_wait3A_38 = tpu.memref_squeeze %dma_wait3A_37 : memref<1x80x128xi32, #tpu.memory_space<hbm>> -> memref<80x128xi32, #tpu.memory_space<hbm>>
      %dma_wait3A_39 = arith.constant 0 : i32
      %dma_wait3A_40 = arith.constant 0 : i32
      %dma_wait3A_41 = tpu.memref_slice %arg3[%add3A, %dma_wait3A_39, %dma_wait3A_40] : memref<32x80x128xi32, #tpu.memory_space<hbm>> -> memref<1x80x128xi32, #tpu.memory_space<hbm>>
      %dma_wait3A_42 = tpu.memref_squeeze %dma_wait3A_41 : memref<1x80x128xi32, #tpu.memory_space<hbm>> -> memref<80x128xi32, #tpu.memory_space<hbm>>
      tpu.wait_dma2 semaphore(%run_scoped3A : memref<!tpu.dma_semaphore, #tpu.memory_space<semaphore_mem>>) src(%dma_wait3A_42 : memref<80x128xi32, #tpu.memory_space<hbm>>) dst(%arg7 : memref<80x128xi32, #tpu.memory_space<vmem>>)
      tpu.yield
    }) : () -> ()
    %barrier3A = arith.constant 0 : index
    tpu.barrier barrier_id(%barrier3A)
    %dma_start3A = arith.constant 0 : i32
    %dma_start3A_5 = arith.constant 0 : i32
    %dma_start3A_6 = tpu.memref_slice %arg7[%dma_start3A, %dma_start3A_5] : memref<80x128xi32, #tpu.memory_space<vmem>> -> memref<1x128xi32, #tpu.memory_space<vmem>>
    %dma_start3A_7 = tpu.memref_squeeze %dma_start3A_6 : memref<1x128xi32, #tpu.memory_space<vmem>> -> memref<128xi32, #tpu.memory_space<vmem>>
    %dma_start3A_8 = arith.constant 0 : i32
    %dma_start3A_9 = arith.constant 0 : i32
    %dma_start3A_10 = tpu.memref_slice %arg2[%dma_start3A_8, %dma_start3A_9] : memref<10000x128xf32, #tpu.memory_space<hbm>> -> memref<10000x128xf32, #tpu.memory_space<hbm>>
    tpu.enqueue_indirect_dma source(%dma_start3A_10 : memref<10000x128xf32, #tpu.memory_space<hbm>>) target(%arg9 : memref<128x128xf32, #tpu.memory_space<vmem>>) offsets(%dma_start3A_7 : memref<128xi32, #tpu.memory_space<vmem>>) semaphore(%arg11 : memref<!tpu.dma_semaphore, #tpu.memory_space<semaphore_mem>>)
    %dma_start3A_11 = arith.constant 1 : i32
    %dma_start3A_12 = arith.constant 0 : i32
    %dma_start3A_13 = tpu.memref_slice %arg7[%dma_start3A_11, %dma_start3A_12] : memref<80x128xi32, #tpu.memory_space<vmem>> -> memref<1x128xi32, #tpu.memory_space<vmem>>
    %dma_start3A_14 = tpu.memref_squeeze %dma_start3A_13 : memref<1x128xi32, #tpu.memory_space<vmem>> -> memref<128xi32, #tpu.memory_space<vmem>>
    %dma_start3A_15 = arith.constant 0 : i32
    %dma_start3A_16 = arith.constant 0 : i32
    %dma_start3A_17 = tpu.memref_slice %arg2[%dma_start3A_15, %dma_start3A_16] : memref<10000x128xf32, #tpu.memory_space<hbm>> -> memref<10000x128xf32, #tpu.memory_space<hbm>>
    tpu.enqueue_indirect_dma source(%dma_start3A_17 : memref<10000x128xf32, #tpu.memory_space<hbm>>) target(%arg10 : memref<128x128xf32, #tpu.memory_space<vmem>>) offsets(%dma_start3A_14 : memref<128xi32, #tpu.memory_space<vmem>>) semaphore(%arg12 : memref<!tpu.dma_semaphore, #tpu.memory_space<semaphore_mem>>)
    %scan3A = arith.constant 0 : i32
    %scan3A_18 = arith.constant 0 : i32
    %scan3A_19 = arith.constant 5 : i32
    %scan3A_20 = arith.addi %scan3A_18, %scan3A_19 : i32
    %scan3A_21 = arith.constant 1 : i32
    scf.for %scan3A_28 = %scan3A_18 to %scan3A_20 step %scan3A_21  : i32 {
      %mul3A_29 = arith.constant 16 : i32
      %mul3A_30 = arith.muli %scan3A_28, %mul3A_29 : i32
      "tpu.region"() ({
        %run_scoped3A = tpu.sem_alloc : memref<!tpu.dma_semaphore, #tpu.memory_space<semaphore_mem>>
        %dma_start3A_37 = arith.constant 0 : i32
        %dma_start3A_38 = tpu.memref_slice %arg4[%add3A, %mul3A_30, %dma_start3A_37] : memref<32x80x128xi32, #tpu.memory_space<hbm>> -> memref<1x16x128xi32, #tpu.memory_space<hbm>>
        %dma_start3A_39 = tpu.memref_squeeze %dma_start3A_38 : memref<1x16x128xi32, #tpu.memory_space<hbm>> -> memref<16x128xi32, #tpu.memory_space<hbm>>
        %dma_start3A_40 = arith.constant 0 : i32
        %dma_start3A_41 = tpu.memref_slice %arg4[%add3A, %mul3A_30, %dma_start3A_40] : memref<32x80x128xi32, #tpu.memory_space<hbm>> -> memref<1x16x128xi32, #tpu.memory_space<hbm>>
        %dma_start3A_42 = tpu.memref_squeeze %dma_start3A_41 : memref<1x16x128xi32, #tpu.memory_space<hbm>> -> memref<16x128xi32, #tpu.memory_space<hbm>>
        tpu.enqueue_dma source(%dma_start3A_42 : memref<16x128xi32, #tpu.memory_space<hbm>>) target(%arg8 : memref<16x128xi32, #tpu.memory_space<vmem>>) target_semaphore(%run_scoped3A : memref<!tpu.dma_semaphore, #tpu.memory_space<semaphore_mem>>)
        %dma_wait3A = arith.constant 0 : i32
        %dma_wait3A_43 = tpu.memref_slice %arg4[%add3A, %mul3A_30, %dma_wait3A] : memref<32x80x128xi32, #tpu.memory_space<hbm>> -> memref<1x16x128xi32, #tpu.memory_space<hbm>>
        %dma_wait3A_44 = tpu.memref_squeeze %dma_wait3A_43 : memref<1x16x128xi32, #tpu.memory_space<hbm>> -> memref<16x128xi32, #tpu.memory_space<hbm>>
        %dma_wait3A_45 = arith.constant 0 : i32
        %dma_wait3A_46 = tpu.memref_slice %arg4[%add3A, %mul3A_30, %dma_wait3A_45] : memref<32x80x128xi32, #tpu.memory_space<hbm>> -> memref<1x16x128xi32, #tpu.memory_space<hbm>>
        %dma_wait3A_47 = tpu.memref_squeeze %dma_wait3A_46 : memref<1x16x128xi32, #tpu.memory_space<hbm>> -> memref<16x128xi32, #tpu.memory_space<hbm>>
        tpu.wait_dma2 semaphore(%run_scoped3A : memref<!tpu.dma_semaphore, #tpu.memory_space<semaphore_mem>>) src(%dma_wait3A_47 : memref<16x128xi32, #tpu.memory_space<hbm>>) dst(%arg8 : memref<16x128xi32, #tpu.memory_space<vmem>>)
        tpu.yield
      }) : () -> ()
      %scan3A_31 = arith.constant 0 : i32
      %scan3A_32 = arith.constant 0 : i32
      %scan3A_33 = arith.constant 8 : i32
      %scan3A_34 = arith.addi %scan3A_32, %scan3A_33 : i32
      %scan3A_35 = arith.constant 1 : i32
      scf.for %scan3A_37 = %scan3A_32 to %scan3A_34 step %scan3A_35  : i32 {
        %mul3A_38 = arith.constant 2 : i32
        %mul3A_39 = arith.muli %scan3A_37, %mul3A_38 : i32
        %add3A_40 = arith.constant 0 : i32
        %add3A_41 = arith.addi %mul3A_39, %add3A_40 : i32
        %mul3A_42 = arith.constant 16 : i32
        %mul3A_43 = arith.muli %scan3A_28, %mul3A_42 : i32
        %add3A_44 = arith.addi %mul3A_43, %add3A_41 : i32
        %dma_wait3A = arith.constant 0 : i32
        %dma_wait3A_45 = tpu.memref_slice %arg7[%add3A_44, %dma_wait3A] : memref<80x128xi32, #tpu.memory_space<vmem>> -> memref<1x128xi32, #tpu.memory_space<vmem>>
        %dma_wait3A_46 = tpu.memref_squeeze %dma_wait3A_45 : memref<1x128xi32, #tpu.memory_space<vmem>> -> memref<128xi32, #tpu.memory_space<vmem>>
        %dma_wait3A_47 = arith.constant 0 : i32
        %dma_wait3A_48 = arith.constant 0 : i32
        %dma_wait3A_49 = tpu.memref_slice %arg2[%dma_wait3A_47, %dma_wait3A_48] : memref<10000x128xf32, #tpu.memory_space<hbm>> -> memref<10000x128xf32, #tpu.memory_space<hbm>>
        tpu.wait_indirect_dma semaphore(%arg11 : memref<!tpu.dma_semaphore, #tpu.memory_space<semaphore_mem>>) src(%dma_wait3A_49 : memref<10000x128xf32, #tpu.memory_space<hbm>>) dst(%arg9 : memref<128x128xf32, #tpu.memory_space<vmem>>)
        "tpu.region"() ({
          %run_scoped3A = tpu.sem_alloc : memref<!tpu.dma_semaphore, #tpu.memory_space<semaphore_mem>>
          %dma_start3A_74 = arith.constant 0 : i32
          %dma_start3A_75 = tpu.memref_slice %arg8[%add3A_41, %dma_start3A_74] : memref<16x128xi32, #tpu.memory_space<vmem>> -> memref<1x128xi32, #tpu.memory_space<vmem>>
          %dma_start3A_76 = tpu.memref_squeeze %dma_start3A_75 : memref<1x128xi32, #tpu.memory_space<vmem>> -> memref<128xi32, #tpu.memory_space<vmem>>
          %dma_start3A_77 = arith.constant 0 : i32
          %dma_start3A_78 = arith.constant 0 : i32
          %dma_start3A_79 = tpu.memref_slice %arg13[%dma_start3A_77, %dma_start3A_78] : memref<10240x128xf32, #tpu.memory_space<vmem_shared>> -> memref<10240x128xf32, #tpu.memory_space<vmem_shared>>
          tpu.enqueue_indirect_dma source(%arg9 : memref<128x128xf32, #tpu.memory_space<vmem>>) target(%dma_start3A_79 : memref<10240x128xf32, #tpu.memory_space<vmem_shared>>) offsets(%dma_start3A_76 : memref<128xi32, #tpu.memory_space<vmem>>) semaphore(%run_scoped3A : memref<!tpu.dma_semaphore, #tpu.memory_space<semaphore_mem>>) {add = true}
          %dma_wait3A_80 = arith.constant 0 : i32
          %dma_wait3A_81 = tpu.memref_slice %arg8[%add3A_41, %dma_wait3A_80] : memref<16x128xi32, #tpu.memory_space<vmem>> -> memref<1x128xi32, #tpu.memory_space<vmem>>
          %dma_wait3A_82 = tpu.memref_squeeze %dma_wait3A_81 : memref<1x128xi32, #tpu.memory_space<vmem>> -> memref<128xi32, #tpu.memory_space<vmem>>
          %dma_wait3A_83 = arith.constant 0 : i32
          %dma_wait3A_84 = arith.constant 0 : i32
          %dma_wait3A_85 = tpu.memref_slice %arg13[%dma_wait3A_83, %dma_wait3A_84] : memref<10240x128xf32, #tpu.memory_space<vmem_shared>> -> memref<10240x128xf32, #tpu.memory_space<vmem_shared>>
          tpu.wait_indirect_dma semaphore(%run_scoped3A : memref<!tpu.dma_semaphore, #tpu.memory_space<semaphore_mem>>) src(%arg9 : memref<128x128xf32, #tpu.memory_space<vmem>>) dst(%dma_wait3A_85 : memref<10240x128xf32, #tpu.memory_space<vmem_shared>>)
          tpu.yield
        }) : () -> ()
        %add3A_50 = arith.constant 2 : i32
        %add3A_51 = arith.addi %add3A_44, %add3A_50 : i32
        %lt3A = arith.constant 80 : i32
        %lt3A_52 = arith.cmpi slt, %add3A_51, %lt3A : i32
        %convert_element_type3A = arith.extui %lt3A_52 : i1 to i32
        %cond3A = arith.constant 0 : i32
        %cond3A_53 = arith.cmpi ne, %convert_element_type3A, %cond3A : i32
        scf.if %cond3A_53 {
          %dma_start3A_74 = arith.constant 0 : i32
          %dma_start3A_75 = tpu.memref_slice %arg7[%add3A_51, %dma_start3A_74] : memref<80x128xi32, #tpu.memory_space<vmem>> -> memref<1x128xi32, #tpu.memory_space<vmem>>
          %dma_start3A_76 = tpu.memref_squeeze %dma_start3A_75 : memref<1x128xi32, #tpu.memory_space<vmem>> -> memref<128xi32, #tpu.memory_space<vmem>>
          %dma_start3A_77 = arith.constant 0 : i32
          %dma_start3A_78 = arith.constant 0 : i32
          %dma_start3A_79 = tpu.memref_slice %arg2[%dma_start3A_77, %dma_start3A_78] : memref<10000x128xf32, #tpu.memory_space<hbm>> -> memref<10000x128xf32, #tpu.memory_space<hbm>>
          tpu.enqueue_indirect_dma source(%dma_start3A_79 : memref<10000x128xf32, #tpu.memory_space<hbm>>) target(%arg9 : memref<128x128xf32, #tpu.memory_space<vmem>>) offsets(%dma_start3A_76 : memref<128xi32, #tpu.memory_space<vmem>>) semaphore(%arg11 : memref<!tpu.dma_semaphore, #tpu.memory_space<semaphore_mem>>)
        } else {
        }
        %mul3A_54 = arith.constant 2 : i32
        %mul3A_55 = arith.muli %scan3A_37, %mul3A_54 : i32
        %add3A_56 = arith.constant 1 : i32
        %add3A_57 = arith.addi %mul3A_55, %add3A_56 : i32
        %mul3A_58 = arith.constant 16 : i32
        %mul3A_59 = arith.muli %scan3A_28, %mul3A_58 : i32
        %add3A_60 = arith.addi %mul3A_59, %add3A_57 : i32
        %dma_wait3A_61 = arith.constant 0 : i32
        %dma_wait3A_62 = tpu.memref_slice %arg7[%add3A_60, %dma_wait3A_61] : memref<80x128xi32, #tpu.memory_space<vmem>> -> memref<1x128xi32, #tpu.memory_space<vmem>>
        %dma_wait3A_63 = tpu.memref_squeeze %dma_wait3A_62 : memref<1x128xi32, #tpu.memory_space<vmem>> -> memref<128xi32, #tpu.memory_space<vmem>>
        %dma_wait3A_64 = arith.constant 0 : i32
        %dma_wait3A_65 = arith.constant 0 : i32
        %dma_wait3A_66 = tpu.memref_slice %arg2[%dma_wait3A_64, %dma_wait3A_65] : memref<10000x128xf32, #tpu.memory_space<hbm>> -> memref<10000x128xf32, #tpu.memory_space<hbm>>
        tpu.wait_indirect_dma semaphore(%arg12 : memref<!tpu.dma_semaphore, #tpu.memory_space<semaphore_mem>>) src(%dma_wait3A_66 : memref<10000x128xf32, #tpu.memory_space<hbm>>) dst(%arg10 : memref<128x128xf32, #tpu.memory_space<vmem>>)
        "tpu.region"() ({
          %run_scoped3A = tpu.sem_alloc : memref<!tpu.dma_semaphore, #tpu.memory_space<semaphore_mem>>
          %dma_start3A_74 = arith.constant 0 : i32
          %dma_start3A_75 = tpu.memref_slice %arg8[%add3A_57, %dma_start3A_74] : memref<16x128xi32, #tpu.memory_space<vmem>> -> memref<1x128xi32, #tpu.memory_space<vmem>>
          %dma_start3A_76 = tpu.memref_squeeze %dma_start3A_75 : memref<1x128xi32, #tpu.memory_space<vmem>> -> memref<128xi32, #tpu.memory_space<vmem>>
          %dma_start3A_77 = arith.constant 0 : i32
          %dma_start3A_78 = arith.constant 0 : i32
          %dma_start3A_79 = tpu.memref_slice %arg13[%dma_start3A_77, %dma_start3A_78] : memref<10240x128xf32, #tpu.memory_space<vmem_shared>> -> memref<10240x128xf32, #tpu.memory_space<vmem_shared>>
          tpu.enqueue_indirect_dma source(%arg10 : memref<128x128xf32, #tpu.memory_space<vmem>>) target(%dma_start3A_79 : memref<10240x128xf32, #tpu.memory_space<vmem_shared>>) offsets(%dma_start3A_76 : memref<128xi32, #tpu.memory_space<vmem>>) semaphore(%run_scoped3A : memref<!tpu.dma_semaphore, #tpu.memory_space<semaphore_mem>>) {add = true}
          %dma_wait3A_80 = arith.constant 0 : i32
          %dma_wait3A_81 = tpu.memref_slice %arg8[%add3A_57, %dma_wait3A_80] : memref<16x128xi32, #tpu.memory_space<vmem>> -> memref<1x128xi32, #tpu.memory_space<vmem>>
          %dma_wait3A_82 = tpu.memref_squeeze %dma_wait3A_81 : memref<1x128xi32, #tpu.memory_space<vmem>> -> memref<128xi32, #tpu.memory_space<vmem>>
          %dma_wait3A_83 = arith.constant 0 : i32
          %dma_wait3A_84 = arith.constant 0 : i32
          %dma_wait3A_85 = tpu.memref_slice %arg13[%dma_wait3A_83, %dma_wait3A_84] : memref<10240x128xf32, #tpu.memory_space<vmem_shared>> -> memref<10240x128xf32, #tpu.memory_space<vmem_shared>>
          tpu.wait_indirect_dma semaphore(%run_scoped3A : memref<!tpu.dma_semaphore, #tpu.memory_space<semaphore_mem>>) src(%arg10 : memref<128x128xf32, #tpu.memory_space<vmem>>) dst(%dma_wait3A_85 : memref<10240x128xf32, #tpu.memory_space<vmem_shared>>)
          tpu.yield
        }) : () -> ()
        %add3A_67 = arith.constant 2 : i32
        %add3A_68 = arith.addi %add3A_60, %add3A_67 : i32
        %lt3A_69 = arith.constant 80 : i32
        %lt3A_70 = arith.cmpi slt, %add3A_68, %lt3A_69 : i32
        %convert_element_type3A_71 = arith.extui %lt3A_70 : i1 to i32
        %cond3A_72 = arith.constant 0 : i32
        %cond3A_73 = arith.cmpi ne, %convert_element_type3A_71, %cond3A_72 : i32
        scf.if %cond3A_73 {
          %dma_start3A_74 = arith.constant 0 : i32
          %dma_start3A_75 = tpu.memref_slice %arg7[%add3A_68, %dma_start3A_74] : memref<80x128xi32, #tpu.memory_space<vmem>> -> memref<1x128xi32, #tpu.memory_space<vmem>>
          %dma_start3A_76 = tpu.memref_squeeze %dma_start3A_75 : memref<1x128xi32, #tpu.memory_space<vmem>> -> memref<128xi32, #tpu.memory_space<vmem>>
          %dma_start3A_77 = arith.constant 0 : i32
          %dma_start3A_78 = arith.constant 0 : i32
          %dma_start3A_79 = tpu.memref_slice %arg2[%dma_start3A_77, %dma_start3A_78] : memref<10000x128xf32, #tpu.memory_space<hbm>> -> memref<10000x128xf32, #tpu.memory_space<hbm>>
          tpu.enqueue_indirect_dma source(%dma_start3A_79 : memref<10000x128xf32, #tpu.memory_space<hbm>>) target(%arg10 : memref<128x128xf32, #tpu.memory_space<vmem>>) offsets(%dma_start3A_76 : memref<128xi32, #tpu.memory_space<vmem>>) semaphore(%arg12 : memref<!tpu.dma_semaphore, #tpu.memory_space<semaphore_mem>>)
        } else {
        }
      }
      %scan3A_36 = arith.constant 8 : i32
    }
    %scan3A_22 = arith.constant 5 : i32
    %barrier3A_23 = arith.constant 0 : index
    tpu.barrier barrier_id(%barrier3A_23)
    %mul3A_24 = arith.constant 640 : i32
    %mul3A_25 = arith.muli %arg1, %mul3A_24 : i32
    %mul3A_26 = arith.constant 640 : i32
    %mul3A_27 = arith.muli %arg1, %mul3A_26 : i32
    "tpu.region"() ({
      %run_scoped3A = tpu.sem_alloc : memref<!tpu.dma_semaphore, #tpu.memory_space<semaphore_mem>>
      %dma_start3A_28 = arith.constant 0 : i32
      %dma_start3A_29 = tpu.memref_slice %arg6[%arg0, %mul3A_27, %dma_start3A_28] : memref<2x10240x128xf32, #tpu.memory_space<hbm>> -> memref<1x640x128xf32, #tpu.memory_space<hbm>>
      %dma_start3A_30 = tpu.memref_squeeze %dma_start3A_29 : memref<1x640x128xf32, #tpu.memory_space<hbm>> -> memref<640x128xf32, #tpu.memory_space<hbm>>
      %dma_start3A_31 = arith.constant 0 : i32
      %dma_start3A_32 = tpu.memref_slice %arg13[%mul3A_25, %dma_start3A_31] : memref<10240x128xf32, #tpu.memory_space<vmem_shared>> -> memref<640x128xf32, #tpu.memory_space<vmem_shared>>
      tpu.enqueue_dma source(%dma_start3A_32 : memref<640x128xf32, #tpu.memory_space<vmem_shared>>) target(%dma_start3A_30 : memref<640x128xf32, #tpu.memory_space<hbm>>) target_semaphore(%run_scoped3A : memref<!tpu.dma_semaphore, #tpu.memory_space<semaphore_mem>>)
      %dma_wait3A = arith.constant 0 : i32
      %dma_wait3A_33 = tpu.memref_slice %arg6[%arg0, %mul3A_27, %dma_wait3A] : memref<2x10240x128xf32, #tpu.memory_space<hbm>> -> memref<1x640x128xf32, #tpu.memory_space<hbm>>
      %dma_wait3A_34 = tpu.memref_squeeze %dma_wait3A_33 : memref<1x640x128xf32, #tpu.memory_space<hbm>> -> memref<640x128xf32, #tpu.memory_space<hbm>>
      %dma_wait3A_35 = arith.constant 0 : i32
      %dma_wait3A_36 = tpu.memref_slice %arg13[%mul3A_25, %dma_wait3A_35] : memref<10240x128xf32, #tpu.memory_space<vmem_shared>> -> memref<640x128xf32, #tpu.memory_space<vmem_shared>>
      tpu.wait_dma2 semaphore(%run_scoped3A : memref<!tpu.dma_semaphore, #tpu.memory_space<semaphore_mem>>) src(%dma_wait3A_36 : memref<640x128xf32, #tpu.memory_space<vmem_shared>>) dst(%dma_wait3A_34 : memref<640x128xf32, #tpu.memory_space<hbm>>)
      tpu.yield
    }) : () -> ()
    return
  }
}

#map = affine_map<(d0, d1) -> (0)>
#map1 = affine_map<(d0, d1) -> (0, 0, 0)>
#map2 = affine_map<(d0, d1) -> (0, 0)>
module attributes {stable_mosaic.version = 14 : i64} {
  func.func @_sc_scalar_agg(%arg0: i32, %arg1: i32, %arg2: memref<10000xf32, #tpu.memory_space<hbm>>, %arg3: memref<32x80x128xi32, #tpu.memory_space<hbm>>, %arg4: memref<32x80x128xi32, #tpu.memory_space<hbm>>, %arg5: memref<10240xf32, #tpu.memory_space<hbm>>, %arg6: memref<2x10240xf32, #tpu.memory_space<hbm>>, %arg7: memref<80x128xi32, #tpu.memory_space<vmem>>, %arg8: memref<80x128xi32, #tpu.memory_space<vmem>>, %arg9: memref<128xf32, #tpu.memory_space<vmem>>, %arg10: memref<128xf32, #tpu.memory_space<vmem>>, %arg11: memref<128xf32, #tpu.memory_space<vmem>>, %arg12: memref<128xf32, #tpu.memory_space<vmem>>, %arg13: memref<!tpu.dma_semaphore, #tpu.memory_space<semaphore_mem>>, %arg14: memref<!tpu.dma_semaphore, #tpu.memory_space<semaphore_mem>>, %arg15: memref<!tpu.dma_semaphore, #tpu.memory_space<semaphore_mem>>, %arg16: memref<!tpu.dma_semaphore, #tpu.memory_space<semaphore_mem>>, %arg17: memref<10240xf32, #tpu.memory_space<vmem_shared>>) attributes {dimension_semantics = [#tpu.dimension_semantics<core_parallel>, #tpu.dimension_semantics<subcore_parallel>], iteration_bounds = array<i64: 2, 16>, scalar_prefetch = 0 : i64, scratch_operands = 11 : i64, tpu.core_type = #tpu.core_type<sc_vector_subcore>, window_params = [{transform_indices = #map}, {transform_indices = #map1}, {transform_indices = #map1}, {transform_indices = #map}, {transform_indices = #map2}]} {
    %mul3A = arith.constant 2 : i32
    %mul3A_0 = arith.muli %arg1, %mul3A : i32
    %add3A = arith.addi %mul3A_0, %arg0 : i32
    %mul3A_1 = arith.constant 640 : i32
    %mul3A_2 = arith.muli %arg1, %mul3A_1 : i32
    %mul3A_3 = arith.constant 640 : i32
    %mul3A_4 = arith.muli %arg1, %mul3A_3 : i32
    "tpu.region"() ({
      %run_scoped3A = tpu.sem_alloc : memref<!tpu.dma_semaphore, #tpu.memory_space<semaphore_mem>>
      %dma_start3A_38 = tpu.memref_slice %arg17[%mul3A_4] : memref<10240xf32, #tpu.memory_space<vmem_shared>> -> memref<640xf32, #tpu.memory_space<vmem_shared>>
      %dma_start3A_39 = tpu.memref_slice %arg5[%mul3A_2] : memref<10240xf32, #tpu.memory_space<hbm>> -> memref<640xf32, #tpu.memory_space<hbm>>
      tpu.enqueue_dma source(%dma_start3A_39 : memref<640xf32, #tpu.memory_space<hbm>>) target(%dma_start3A_38 : memref<640xf32, #tpu.memory_space<vmem_shared>>) target_semaphore(%run_scoped3A : memref<!tpu.dma_semaphore, #tpu.memory_space<semaphore_mem>>)
      %dma_wait3A = tpu.memref_slice %arg17[%mul3A_4] : memref<10240xf32, #tpu.memory_space<vmem_shared>> -> memref<640xf32, #tpu.memory_space<vmem_shared>>
      %dma_wait3A_40 = tpu.memref_slice %arg5[%mul3A_2] : memref<10240xf32, #tpu.memory_space<hbm>> -> memref<640xf32, #tpu.memory_space<hbm>>
      tpu.wait_dma2 semaphore(%run_scoped3A : memref<!tpu.dma_semaphore, #tpu.memory_space<semaphore_mem>>) src(%dma_wait3A_40 : memref<640xf32, #tpu.memory_space<hbm>>) dst(%dma_wait3A : memref<640xf32, #tpu.memory_space<vmem_shared>>)
      tpu.yield
    }) : () -> ()
    "tpu.region"() ({
      %run_scoped3A = tpu.sem_alloc : memref<!tpu.dma_semaphore, #tpu.memory_space<semaphore_mem>>
      %dma_start3A_38 = arith.constant 0 : i32
      %dma_start3A_39 = arith.constant 0 : i32
      %dma_start3A_40 = tpu.memref_slice %arg3[%add3A, %dma_start3A_38, %dma_start3A_39] : memref<32x80x128xi32, #tpu.memory_space<hbm>> -> memref<1x80x128xi32, #tpu.memory_space<hbm>>
      %dma_start3A_41 = tpu.memref_squeeze %dma_start3A_40 : memref<1x80x128xi32, #tpu.memory_space<hbm>> -> memref<80x128xi32, #tpu.memory_space<hbm>>
      %dma_start3A_42 = arith.constant 0 : i32
      %dma_start3A_43 = arith.constant 0 : i32
      %dma_start3A_44 = tpu.memref_slice %arg3[%add3A, %dma_start3A_42, %dma_start3A_43] : memref<32x80x128xi32, #tpu.memory_space<hbm>> -> memref<1x80x128xi32, #tpu.memory_space<hbm>>
      %dma_start3A_45 = tpu.memref_squeeze %dma_start3A_44 : memref<1x80x128xi32, #tpu.memory_space<hbm>> -> memref<80x128xi32, #tpu.memory_space<hbm>>
      tpu.enqueue_dma source(%dma_start3A_45 : memref<80x128xi32, #tpu.memory_space<hbm>>) target(%arg7 : memref<80x128xi32, #tpu.memory_space<vmem>>) target_semaphore(%run_scoped3A : memref<!tpu.dma_semaphore, #tpu.memory_space<semaphore_mem>>)
      %dma_wait3A = arith.constant 0 : i32
      %dma_wait3A_46 = arith.constant 0 : i32
      %dma_wait3A_47 = tpu.memref_slice %arg3[%add3A, %dma_wait3A, %dma_wait3A_46] : memref<32x80x128xi32, #tpu.memory_space<hbm>> -> memref<1x80x128xi32, #tpu.memory_space<hbm>>
      %dma_wait3A_48 = tpu.memref_squeeze %dma_wait3A_47 : memref<1x80x128xi32, #tpu.memory_space<hbm>> -> memref<80x128xi32, #tpu.memory_space<hbm>>
      %dma_wait3A_49 = arith.constant 0 : i32
      %dma_wait3A_50 = arith.constant 0 : i32
      %dma_wait3A_51 = tpu.memref_slice %arg3[%add3A, %dma_wait3A_49, %dma_wait3A_50] : memref<32x80x128xi32, #tpu.memory_space<hbm>> -> memref<1x80x128xi32, #tpu.memory_space<hbm>>
      %dma_wait3A_52 = tpu.memref_squeeze %dma_wait3A_51 : memref<1x80x128xi32, #tpu.memory_space<hbm>> -> memref<80x128xi32, #tpu.memory_space<hbm>>
      tpu.wait_dma2 semaphore(%run_scoped3A : memref<!tpu.dma_semaphore, #tpu.memory_space<semaphore_mem>>) src(%dma_wait3A_52 : memref<80x128xi32, #tpu.memory_space<hbm>>) dst(%arg7 : memref<80x128xi32, #tpu.memory_space<vmem>>)
      tpu.yield
    }) : () -> ()
    "tpu.region"() ({
      %run_scoped3A = tpu.sem_alloc : memref<!tpu.dma_semaphore, #tpu.memory_space<semaphore_mem>>
      %dma_start3A_38 = arith.constant 0 : i32
      %dma_start3A_39 = arith.constant 0 : i32
      %dma_start3A_40 = tpu.memref_slice %arg4[%add3A, %dma_start3A_38, %dma_start3A_39] : memref<32x80x128xi32, #tpu.memory_space<hbm>> -> memref<1x80x128xi32, #tpu.memory_space<hbm>>
      %dma_start3A_41 = tpu.memref_squeeze %dma_start3A_40 : memref<1x80x128xi32, #tpu.memory_space<hbm>> -> memref<80x128xi32, #tpu.memory_space<hbm>>
      %dma_start3A_42 = arith.constant 0 : i32
      %dma_start3A_43 = arith.constant 0 : i32
      %dma_start3A_44 = tpu.memref_slice %arg4[%add3A, %dma_start3A_42, %dma_start3A_43] : memref<32x80x128xi32, #tpu.memory_space<hbm>> -> memref<1x80x128xi32, #tpu.memory_space<hbm>>
      %dma_start3A_45 = tpu.memref_squeeze %dma_start3A_44 : memref<1x80x128xi32, #tpu.memory_space<hbm>> -> memref<80x128xi32, #tpu.memory_space<hbm>>
      tpu.enqueue_dma source(%dma_start3A_45 : memref<80x128xi32, #tpu.memory_space<hbm>>) target(%arg8 : memref<80x128xi32, #tpu.memory_space<vmem>>) target_semaphore(%run_scoped3A : memref<!tpu.dma_semaphore, #tpu.memory_space<semaphore_mem>>)
      %dma_wait3A = arith.constant 0 : i32
      %dma_wait3A_46 = arith.constant 0 : i32
      %dma_wait3A_47 = tpu.memref_slice %arg4[%add3A, %dma_wait3A, %dma_wait3A_46] : memref<32x80x128xi32, #tpu.memory_space<hbm>> -> memref<1x80x128xi32, #tpu.memory_space<hbm>>
      %dma_wait3A_48 = tpu.memref_squeeze %dma_wait3A_47 : memref<1x80x128xi32, #tpu.memory_space<hbm>> -> memref<80x128xi32, #tpu.memory_space<hbm>>
      %dma_wait3A_49 = arith.constant 0 : i32
      %dma_wait3A_50 = arith.constant 0 : i32
      %dma_wait3A_51 = tpu.memref_slice %arg4[%add3A, %dma_wait3A_49, %dma_wait3A_50] : memref<32x80x128xi32, #tpu.memory_space<hbm>> -> memref<1x80x128xi32, #tpu.memory_space<hbm>>
      %dma_wait3A_52 = tpu.memref_squeeze %dma_wait3A_51 : memref<1x80x128xi32, #tpu.memory_space<hbm>> -> memref<80x128xi32, #tpu.memory_space<hbm>>
      tpu.wait_dma2 semaphore(%run_scoped3A : memref<!tpu.dma_semaphore, #tpu.memory_space<semaphore_mem>>) src(%dma_wait3A_52 : memref<80x128xi32, #tpu.memory_space<hbm>>) dst(%arg8 : memref<80x128xi32, #tpu.memory_space<vmem>>)
      tpu.yield
    }) : () -> ()
    %barrier3A = arith.constant 0 : index
    tpu.barrier barrier_id(%barrier3A)
    %dma_start3A = arith.constant 0 : i32
    %dma_start3A_5 = arith.constant 0 : i32
    %dma_start3A_6 = tpu.memref_slice %arg7[%dma_start3A, %dma_start3A_5] : memref<80x128xi32, #tpu.memory_space<vmem>> -> memref<1x128xi32, #tpu.memory_space<vmem>>
    %dma_start3A_7 = tpu.memref_squeeze %dma_start3A_6 : memref<1x128xi32, #tpu.memory_space<vmem>> -> memref<128xi32, #tpu.memory_space<vmem>>
    %dma_start3A_8 = arith.constant 0 : i32
    %dma_start3A_9 = tpu.memref_slice %arg2[%dma_start3A_8] : memref<10000xf32, #tpu.memory_space<hbm>> -> memref<10000xf32, #tpu.memory_space<hbm>>
    tpu.enqueue_indirect_dma source(%dma_start3A_9 : memref<10000xf32, #tpu.memory_space<hbm>>) target(%arg9 : memref<128xf32, #tpu.memory_space<vmem>>) offsets(%dma_start3A_7 : memref<128xi32, #tpu.memory_space<vmem>>) semaphore(%arg13 : memref<!tpu.dma_semaphore, #tpu.memory_space<semaphore_mem>>)
    %dma_start3A_10 = arith.constant 1 : i32
    %dma_start3A_11 = arith.constant 0 : i32
    %dma_start3A_12 = tpu.memref_slice %arg7[%dma_start3A_10, %dma_start3A_11] : memref<80x128xi32, #tpu.memory_space<vmem>> -> memref<1x128xi32, #tpu.memory_space<vmem>>
    %dma_start3A_13 = tpu.memref_squeeze %dma_start3A_12 : memref<1x128xi32, #tpu.memory_space<vmem>> -> memref<128xi32, #tpu.memory_space<vmem>>
    %dma_start3A_14 = arith.constant 0 : i32
    %dma_start3A_15 = tpu.memref_slice %arg2[%dma_start3A_14] : memref<10000xf32, #tpu.memory_space<hbm>> -> memref<10000xf32, #tpu.memory_space<hbm>>
    tpu.enqueue_indirect_dma source(%dma_start3A_15 : memref<10000xf32, #tpu.memory_space<hbm>>) target(%arg10 : memref<128xf32, #tpu.memory_space<vmem>>) offsets(%dma_start3A_13 : memref<128xi32, #tpu.memory_space<vmem>>) semaphore(%arg14 : memref<!tpu.dma_semaphore, #tpu.memory_space<semaphore_mem>>)
    %dma_start3A_16 = arith.constant 2 : i32
    %dma_start3A_17 = arith.constant 0 : i32
    %dma_start3A_18 = tpu.memref_slice %arg7[%dma_start3A_16, %dma_start3A_17] : memref<80x128xi32, #tpu.memory_space<vmem>> -> memref<1x128xi32, #tpu.memory_space<vmem>>
    %dma_start3A_19 = tpu.memref_squeeze %dma_start3A_18 : memref<1x128xi32, #tpu.memory_space<vmem>> -> memref<128xi32, #tpu.memory_space<vmem>>
    %dma_start3A_20 = arith.constant 0 : i32
    %dma_start3A_21 = tpu.memref_slice %arg2[%dma_start3A_20] : memref<10000xf32, #tpu.memory_space<hbm>> -> memref<10000xf32, #tpu.memory_space<hbm>>
    tpu.enqueue_indirect_dma source(%dma_start3A_21 : memref<10000xf32, #tpu.memory_space<hbm>>) target(%arg11 : memref<128xf32, #tpu.memory_space<vmem>>) offsets(%dma_start3A_19 : memref<128xi32, #tpu.memory_space<vmem>>) semaphore(%arg15 : memref<!tpu.dma_semaphore, #tpu.memory_space<semaphore_mem>>)
    %dma_start3A_22 = arith.constant 3 : i32
    %dma_start3A_23 = arith.constant 0 : i32
    %dma_start3A_24 = tpu.memref_slice %arg7[%dma_start3A_22, %dma_start3A_23] : memref<80x128xi32, #tpu.memory_space<vmem>> -> memref<1x128xi32, #tpu.memory_space<vmem>>
    %dma_start3A_25 = tpu.memref_squeeze %dma_start3A_24 : memref<1x128xi32, #tpu.memory_space<vmem>> -> memref<128xi32, #tpu.memory_space<vmem>>
    %dma_start3A_26 = arith.constant 0 : i32
    %dma_start3A_27 = tpu.memref_slice %arg2[%dma_start3A_26] : memref<10000xf32, #tpu.memory_space<hbm>> -> memref<10000xf32, #tpu.memory_space<hbm>>
    tpu.enqueue_indirect_dma source(%dma_start3A_27 : memref<10000xf32, #tpu.memory_space<hbm>>) target(%arg12 : memref<128xf32, #tpu.memory_space<vmem>>) offsets(%dma_start3A_25 : memref<128xi32, #tpu.memory_space<vmem>>) semaphore(%arg16 : memref<!tpu.dma_semaphore, #tpu.memory_space<semaphore_mem>>)
    %scan3A = arith.constant 0 : i32
    %scan3A_28 = arith.constant 0 : i32
    %scan3A_29 = arith.constant 20 : i32
    %scan3A_30 = arith.addi %scan3A_28, %scan3A_29 : i32
    %scan3A_31 = arith.constant 1 : i32
    scf.for %scan3A_38 = %scan3A_28 to %scan3A_30 step %scan3A_31  : i32 {
      %mul3A_39 = arith.constant 4 : i32
      %mul3A_40 = arith.muli %scan3A_38, %mul3A_39 : i32
      %add3A_41 = arith.constant 0 : i32
      %add3A_42 = arith.addi %mul3A_40, %add3A_41 : i32
      %dma_wait3A = arith.constant 0 : i32
      %dma_wait3A_43 = tpu.memref_slice %arg7[%add3A_42, %dma_wait3A] : memref<80x128xi32, #tpu.memory_space<vmem>> -> memref<1x128xi32, #tpu.memory_space<vmem>>
      %dma_wait3A_44 = tpu.memref_squeeze %dma_wait3A_43 : memref<1x128xi32, #tpu.memory_space<vmem>> -> memref<128xi32, #tpu.memory_space<vmem>>
      %dma_wait3A_45 = arith.constant 0 : i32
      %dma_wait3A_46 = tpu.memref_slice %arg2[%dma_wait3A_45] : memref<10000xf32, #tpu.memory_space<hbm>> -> memref<10000xf32, #tpu.memory_space<hbm>>
      tpu.wait_indirect_dma semaphore(%arg13 : memref<!tpu.dma_semaphore, #tpu.memory_space<semaphore_mem>>) src(%dma_wait3A_46 : memref<10000xf32, #tpu.memory_space<hbm>>) dst(%arg9 : memref<128xf32, #tpu.memory_space<vmem>>)
      "tpu.region"() ({
        %run_scoped3A = tpu.sem_alloc : memref<!tpu.dma_semaphore, #tpu.memory_space<semaphore_mem>>
        %dma_start3A_99 = arith.constant 0 : i32
        %dma_start3A_100 = tpu.memref_slice %arg8[%add3A_42, %dma_start3A_99] : memref<80x128xi32, #tpu.memory_space<vmem>> -> memref<1x128xi32, #tpu.memory_space<vmem>>
        %dma_start3A_101 = tpu.memref_squeeze %dma_start3A_100 : memref<1x128xi32, #tpu.memory_space<vmem>> -> memref<128xi32, #tpu.memory_space<vmem>>
        %dma_start3A_102 = arith.constant 0 : i32
        %dma_start3A_103 = tpu.memref_slice %arg17[%dma_start3A_102] : memref<10240xf32, #tpu.memory_space<vmem_shared>> -> memref<10240xf32, #tpu.memory_space<vmem_shared>>
        tpu.enqueue_indirect_dma source(%arg9 : memref<128xf32, #tpu.memory_space<vmem>>) target(%dma_start3A_103 : memref<10240xf32, #tpu.memory_space<vmem_shared>>) offsets(%dma_start3A_101 : memref<128xi32, #tpu.memory_space<vmem>>) semaphore(%run_scoped3A : memref<!tpu.dma_semaphore, #tpu.memory_space<semaphore_mem>>) {add = true}
        %dma_wait3A_104 = arith.constant 0 : i32
        %dma_wait3A_105 = tpu.memref_slice %arg8[%add3A_42, %dma_wait3A_104] : memref<80x128xi32, #tpu.memory_space<vmem>> -> memref<1x128xi32, #tpu.memory_space<vmem>>
        %dma_wait3A_106 = tpu.memref_squeeze %dma_wait3A_105 : memref<1x128xi32, #tpu.memory_space<vmem>> -> memref<128xi32, #tpu.memory_space<vmem>>
        %dma_wait3A_107 = arith.constant 0 : i32
        %dma_wait3A_108 = tpu.memref_slice %arg17[%dma_wait3A_107] : memref<10240xf32, #tpu.memory_space<vmem_shared>> -> memref<10240xf32, #tpu.memory_space<vmem_shared>>
        tpu.wait_indirect_dma semaphore(%run_scoped3A : memref<!tpu.dma_semaphore, #tpu.memory_space<semaphore_mem>>) src(%arg9 : memref<128xf32, #tpu.memory_space<vmem>>) dst(%dma_wait3A_108 : memref<10240xf32, #tpu.memory_space<vmem_shared>>)
        tpu.yield
      }) : () -> ()
      %add3A_47 = arith.constant 4 : i32
      %add3A_48 = arith.addi %add3A_42, %add3A_47 : i32
      %lt3A = arith.constant 80 : i32
      %lt3A_49 = arith.cmpi slt, %add3A_48, %lt3A : i32
      %convert_element_type3A = arith.extui %lt3A_49 : i1 to i32
      %cond3A = arith.constant 0 : i32
      %cond3A_50 = arith.cmpi ne, %convert_element_type3A, %cond3A : i32
      scf.if %cond3A_50 {
        %dma_start3A_99 = arith.constant 0 : i32
        %dma_start3A_100 = tpu.memref_slice %arg7[%add3A_48, %dma_start3A_99] : memref<80x128xi32, #tpu.memory_space<vmem>> -> memref<1x128xi32, #tpu.memory_space<vmem>>
        %dma_start3A_101 = tpu.memref_squeeze %dma_start3A_100 : memref<1x128xi32, #tpu.memory_space<vmem>> -> memref<128xi32, #tpu.memory_space<vmem>>
        %dma_start3A_102 = arith.constant 0 : i32
        %dma_start3A_103 = tpu.memref_slice %arg2[%dma_start3A_102] : memref<10000xf32, #tpu.memory_space<hbm>> -> memref<10000xf32, #tpu.memory_space<hbm>>
        tpu.enqueue_indirect_dma source(%dma_start3A_103 : memref<10000xf32, #tpu.memory_space<hbm>>) target(%arg9 : memref<128xf32, #tpu.memory_space<vmem>>) offsets(%dma_start3A_101 : memref<128xi32, #tpu.memory_space<vmem>>) semaphore(%arg13 : memref<!tpu.dma_semaphore, #tpu.memory_space<semaphore_mem>>)
      } else {
      }
      %mul3A_51 = arith.constant 4 : i32
      %mul3A_52 = arith.muli %scan3A_38, %mul3A_51 : i32
      %add3A_53 = arith.constant 1 : i32
      %add3A_54 = arith.addi %mul3A_52, %add3A_53 : i32
      %dma_wait3A_55 = arith.constant 0 : i32
      %dma_wait3A_56 = tpu.memref_slice %arg7[%add3A_54, %dma_wait3A_55] : memref<80x128xi32, #tpu.memory_space<vmem>> -> memref<1x128xi32, #tpu.memory_space<vmem>>
      %dma_wait3A_57 = tpu.memref_squeeze %dma_wait3A_56 : memref<1x128xi32, #tpu.memory_space<vmem>> -> memref<128xi32, #tpu.memory_space<vmem>>
      %dma_wait3A_58 = arith.constant 0 : i32
      %dma_wait3A_59 = tpu.memref_slice %arg2[%dma_wait3A_58] : memref<10000xf32, #tpu.memory_space<hbm>> -> memref<10000xf32, #tpu.memory_space<hbm>>
      tpu.wait_indirect_dma semaphore(%arg14 : memref<!tpu.dma_semaphore, #tpu.memory_space<semaphore_mem>>) src(%dma_wait3A_59 : memref<10000xf32, #tpu.memory_space<hbm>>) dst(%arg10 : memref<128xf32, #tpu.memory_space<vmem>>)
      "tpu.region"() ({
        %run_scoped3A = tpu.sem_alloc : memref<!tpu.dma_semaphore, #tpu.memory_space<semaphore_mem>>
        %dma_start3A_99 = arith.constant 0 : i32
        %dma_start3A_100 = tpu.memref_slice %arg8[%add3A_54, %dma_start3A_99] : memref<80x128xi32, #tpu.memory_space<vmem>> -> memref<1x128xi32, #tpu.memory_space<vmem>>
        %dma_start3A_101 = tpu.memref_squeeze %dma_start3A_100 : memref<1x128xi32, #tpu.memory_space<vmem>> -> memref<128xi32, #tpu.memory_space<vmem>>
        %dma_start3A_102 = arith.constant 0 : i32
        %dma_start3A_103 = tpu.memref_slice %arg17[%dma_start3A_102] : memref<10240xf32, #tpu.memory_space<vmem_shared>> -> memref<10240xf32, #tpu.memory_space<vmem_shared>>
        tpu.enqueue_indirect_dma source(%arg10 : memref<128xf32, #tpu.memory_space<vmem>>) target(%dma_start3A_103 : memref<10240xf32, #tpu.memory_space<vmem_shared>>) offsets(%dma_start3A_101 : memref<128xi32, #tpu.memory_space<vmem>>) semaphore(%run_scoped3A : memref<!tpu.dma_semaphore, #tpu.memory_space<semaphore_mem>>) {add = true}
        %dma_wait3A_104 = arith.constant 0 : i32
        %dma_wait3A_105 = tpu.memref_slice %arg8[%add3A_54, %dma_wait3A_104] : memref<80x128xi32, #tpu.memory_space<vmem>> -> memref<1x128xi32, #tpu.memory_space<vmem>>
        %dma_wait3A_106 = tpu.memref_squeeze %dma_wait3A_105 : memref<1x128xi32, #tpu.memory_space<vmem>> -> memref<128xi32, #tpu.memory_space<vmem>>
        %dma_wait3A_107 = arith.constant 0 : i32
        %dma_wait3A_108 = tpu.memref_slice %arg17[%dma_wait3A_107] : memref<10240xf32, #tpu.memory_space<vmem_shared>> -> memref<10240xf32, #tpu.memory_space<vmem_shared>>
        tpu.wait_indirect_dma semaphore(%run_scoped3A : memref<!tpu.dma_semaphore, #tpu.memory_space<semaphore_mem>>) src(%arg10 : memref<128xf32, #tpu.memory_space<vmem>>) dst(%dma_wait3A_108 : memref<10240xf32, #tpu.memory_space<vmem_shared>>)
        tpu.yield
      }) : () -> ()
      %add3A_60 = arith.constant 4 : i32
      %add3A_61 = arith.addi %add3A_54, %add3A_60 : i32
      %lt3A_62 = arith.constant 80 : i32
      %lt3A_63 = arith.cmpi slt, %add3A_61, %lt3A_62 : i32
      %convert_element_type3A_64 = arith.extui %lt3A_63 : i1 to i32
      %cond3A_65 = arith.constant 0 : i32
      %cond3A_66 = arith.cmpi ne, %convert_element_type3A_64, %cond3A_65 : i32
      scf.if %cond3A_66 {
        %dma_start3A_99 = arith.constant 0 : i32
        %dma_start3A_100 = tpu.memref_slice %arg7[%add3A_61, %dma_start3A_99] : memref<80x128xi32, #tpu.memory_space<vmem>> -> memref<1x128xi32, #tpu.memory_space<vmem>>
        %dma_start3A_101 = tpu.memref_squeeze %dma_start3A_100 : memref<1x128xi32, #tpu.memory_space<vmem>> -> memref<128xi32, #tpu.memory_space<vmem>>
        %dma_start3A_102 = arith.constant 0 : i32
        %dma_start3A_103 = tpu.memref_slice %arg2[%dma_start3A_102] : memref<10000xf32, #tpu.memory_space<hbm>> -> memref<10000xf32, #tpu.memory_space<hbm>>
        tpu.enqueue_indirect_dma source(%dma_start3A_103 : memref<10000xf32, #tpu.memory_space<hbm>>) target(%arg10 : memref<128xf32, #tpu.memory_space<vmem>>) offsets(%dma_start3A_101 : memref<128xi32, #tpu.memory_space<vmem>>) semaphore(%arg14 : memref<!tpu.dma_semaphore, #tpu.memory_space<semaphore_mem>>)
      } else {
      }
      %mul3A_67 = arith.constant 4 : i32
      %mul3A_68 = arith.muli %scan3A_38, %mul3A_67 : i32
      %add3A_69 = arith.constant 2 : i32
      %add3A_70 = arith.addi %mul3A_68, %add3A_69 : i32
      %dma_wait3A_71 = arith.constant 0 : i32
      %dma_wait3A_72 = tpu.memref_slice %arg7[%add3A_70, %dma_wait3A_71] : memref<80x128xi32, #tpu.memory_space<vmem>> -> memref<1x128xi32, #tpu.memory_space<vmem>>
      %dma_wait3A_73 = tpu.memref_squeeze %dma_wait3A_72 : memref<1x128xi32, #tpu.memory_space<vmem>> -> memref<128xi32, #tpu.memory_space<vmem>>
      %dma_wait3A_74 = arith.constant 0 : i32
      %dma_wait3A_75 = tpu.memref_slice %arg2[%dma_wait3A_74] : memref<10000xf32, #tpu.memory_space<hbm>> -> memref<10000xf32, #tpu.memory_space<hbm>>
      tpu.wait_indirect_dma semaphore(%arg15 : memref<!tpu.dma_semaphore, #tpu.memory_space<semaphore_mem>>) src(%dma_wait3A_75 : memref<10000xf32, #tpu.memory_space<hbm>>) dst(%arg11 : memref<128xf32, #tpu.memory_space<vmem>>)
      "tpu.region"() ({
        %run_scoped3A = tpu.sem_alloc : memref<!tpu.dma_semaphore, #tpu.memory_space<semaphore_mem>>
        %dma_start3A_99 = arith.constant 0 : i32
        %dma_start3A_100 = tpu.memref_slice %arg8[%add3A_70, %dma_start3A_99] : memref<80x128xi32, #tpu.memory_space<vmem>> -> memref<1x128xi32, #tpu.memory_space<vmem>>
        %dma_start3A_101 = tpu.memref_squeeze %dma_start3A_100 : memref<1x128xi32, #tpu.memory_space<vmem>> -> memref<128xi32, #tpu.memory_space<vmem>>
        %dma_start3A_102 = arith.constant 0 : i32
        %dma_start3A_103 = tpu.memref_slice %arg17[%dma_start3A_102] : memref<10240xf32, #tpu.memory_space<vmem_shared>> -> memref<10240xf32, #tpu.memory_space<vmem_shared>>
        tpu.enqueue_indirect_dma source(%arg11 : memref<128xf32, #tpu.memory_space<vmem>>) target(%dma_start3A_103 : memref<10240xf32, #tpu.memory_space<vmem_shared>>) offsets(%dma_start3A_101 : memref<128xi32, #tpu.memory_space<vmem>>) semaphore(%run_scoped3A : memref<!tpu.dma_semaphore, #tpu.memory_space<semaphore_mem>>) {add = true}
        %dma_wait3A_104 = arith.constant 0 : i32
        %dma_wait3A_105 = tpu.memref_slice %arg8[%add3A_70, %dma_wait3A_104] : memref<80x128xi32, #tpu.memory_space<vmem>> -> memref<1x128xi32, #tpu.memory_space<vmem>>
        %dma_wait3A_106 = tpu.memref_squeeze %dma_wait3A_105 : memref<1x128xi32, #tpu.memory_space<vmem>> -> memref<128xi32, #tpu.memory_space<vmem>>
        %dma_wait3A_107 = arith.constant 0 : i32
        %dma_wait3A_108 = tpu.memref_slice %arg17[%dma_wait3A_107] : memref<10240xf32, #tpu.memory_space<vmem_shared>> -> memref<10240xf32, #tpu.memory_space<vmem_shared>>
        tpu.wait_indirect_dma semaphore(%run_scoped3A : memref<!tpu.dma_semaphore, #tpu.memory_space<semaphore_mem>>) src(%arg11 : memref<128xf32, #tpu.memory_space<vmem>>) dst(%dma_wait3A_108 : memref<10240xf32, #tpu.memory_space<vmem_shared>>)
        tpu.yield
      }) : () -> ()
      %add3A_76 = arith.constant 4 : i32
      %add3A_77 = arith.addi %add3A_70, %add3A_76 : i32
      %lt3A_78 = arith.constant 80 : i32
      %lt3A_79 = arith.cmpi slt, %add3A_77, %lt3A_78 : i32
      %convert_element_type3A_80 = arith.extui %lt3A_79 : i1 to i32
      %cond3A_81 = arith.constant 0 : i32
      %cond3A_82 = arith.cmpi ne, %convert_element_type3A_80, %cond3A_81 : i32
      scf.if %cond3A_82 {
        %dma_start3A_99 = arith.constant 0 : i32
        %dma_start3A_100 = tpu.memref_slice %arg7[%add3A_77, %dma_start3A_99] : memref<80x128xi32, #tpu.memory_space<vmem>> -> memref<1x128xi32, #tpu.memory_space<vmem>>
        %dma_start3A_101 = tpu.memref_squeeze %dma_start3A_100 : memref<1x128xi32, #tpu.memory_space<vmem>> -> memref<128xi32, #tpu.memory_space<vmem>>
        %dma_start3A_102 = arith.constant 0 : i32
        %dma_start3A_103 = tpu.memref_slice %arg2[%dma_start3A_102] : memref<10000xf32, #tpu.memory_space<hbm>> -> memref<10000xf32, #tpu.memory_space<hbm>>
        tpu.enqueue_indirect_dma source(%dma_start3A_103 : memref<10000xf32, #tpu.memory_space<hbm>>) target(%arg11 : memref<128xf32, #tpu.memory_space<vmem>>) offsets(%dma_start3A_101 : memref<128xi32, #tpu.memory_space<vmem>>) semaphore(%arg15 : memref<!tpu.dma_semaphore, #tpu.memory_space<semaphore_mem>>)
      } else {
      }
      %mul3A_83 = arith.constant 4 : i32
      %mul3A_84 = arith.muli %scan3A_38, %mul3A_83 : i32
      %add3A_85 = arith.constant 3 : i32
      %add3A_86 = arith.addi %mul3A_84, %add3A_85 : i32
      %dma_wait3A_87 = arith.constant 0 : i32
      %dma_wait3A_88 = tpu.memref_slice %arg7[%add3A_86, %dma_wait3A_87] : memref<80x128xi32, #tpu.memory_space<vmem>> -> memref<1x128xi32, #tpu.memory_space<vmem>>
      %dma_wait3A_89 = tpu.memref_squeeze %dma_wait3A_88 : memref<1x128xi32, #tpu.memory_space<vmem>> -> memref<128xi32, #tpu.memory_space<vmem>>
      %dma_wait3A_90 = arith.constant 0 : i32
      %dma_wait3A_91 = tpu.memref_slice %arg2[%dma_wait3A_90] : memref<10000xf32, #tpu.memory_space<hbm>> -> memref<10000xf32, #tpu.memory_space<hbm>>
      tpu.wait_indirect_dma semaphore(%arg16 : memref<!tpu.dma_semaphore, #tpu.memory_space<semaphore_mem>>) src(%dma_wait3A_91 : memref<10000xf32, #tpu.memory_space<hbm>>) dst(%arg12 : memref<128xf32, #tpu.memory_space<vmem>>)
      "tpu.region"() ({
        %run_scoped3A = tpu.sem_alloc : memref<!tpu.dma_semaphore, #tpu.memory_space<semaphore_mem>>
        %dma_start3A_99 = arith.constant 0 : i32
        %dma_start3A_100 = tpu.memref_slice %arg8[%add3A_86, %dma_start3A_99] : memref<80x128xi32, #tpu.memory_space<vmem>> -> memref<1x128xi32, #tpu.memory_space<vmem>>
        %dma_start3A_101 = tpu.memref_squeeze %dma_start3A_100 : memref<1x128xi32, #tpu.memory_space<vmem>> -> memref<128xi32, #tpu.memory_space<vmem>>
        %dma_start3A_102 = arith.constant 0 : i32
        %dma_start3A_103 = tpu.memref_slice %arg17[%dma_start3A_102] : memref<10240xf32, #tpu.memory_space<vmem_shared>> -> memref<10240xf32, #tpu.memory_space<vmem_shared>>
        tpu.enqueue_indirect_dma source(%arg12 : memref<128xf32, #tpu.memory_space<vmem>>) target(%dma_start3A_103 : memref<10240xf32, #tpu.memory_space<vmem_shared>>) offsets(%dma_start3A_101 : memref<128xi32, #tpu.memory_space<vmem>>) semaphore(%run_scoped3A : memref<!tpu.dma_semaphore, #tpu.memory_space<semaphore_mem>>) {add = true}
        %dma_wait3A_104 = arith.constant 0 : i32
        %dma_wait3A_105 = tpu.memref_slice %arg8[%add3A_86, %dma_wait3A_104] : memref<80x128xi32, #tpu.memory_space<vmem>> -> memref<1x128xi32, #tpu.memory_space<vmem>>
        %dma_wait3A_106 = tpu.memref_squeeze %dma_wait3A_105 : memref<1x128xi32, #tpu.memory_space<vmem>> -> memref<128xi32, #tpu.memory_space<vmem>>
        %dma_wait3A_107 = arith.constant 0 : i32
        %dma_wait3A_108 = tpu.memref_slice %arg17[%dma_wait3A_107] : memref<10240xf32, #tpu.memory_space<vmem_shared>> -> memref<10240xf32, #tpu.memory_space<vmem_shared>>
        tpu.wait_indirect_dma semaphore(%run_scoped3A : memref<!tpu.dma_semaphore, #tpu.memory_space<semaphore_mem>>) src(%arg12 : memref<128xf32, #tpu.memory_space<vmem>>) dst(%dma_wait3A_108 : memref<10240xf32, #tpu.memory_space<vmem_shared>>)
        tpu.yield
      }) : () -> ()
      %add3A_92 = arith.constant 4 : i32
      %add3A_93 = arith.addi %add3A_86, %add3A_92 : i32
      %lt3A_94 = arith.constant 80 : i32
      %lt3A_95 = arith.cmpi slt, %add3A_93, %lt3A_94 : i32
      %convert_element_type3A_96 = arith.extui %lt3A_95 : i1 to i32
      %cond3A_97 = arith.constant 0 : i32
      %cond3A_98 = arith.cmpi ne, %convert_element_type3A_96, %cond3A_97 : i32
      scf.if %cond3A_98 {
        %dma_start3A_99 = arith.constant 0 : i32
        %dma_start3A_100 = tpu.memref_slice %arg7[%add3A_93, %dma_start3A_99] : memref<80x128xi32, #tpu.memory_space<vmem>> -> memref<1x128xi32, #tpu.memory_space<vmem>>
        %dma_start3A_101 = tpu.memref_squeeze %dma_start3A_100 : memref<1x128xi32, #tpu.memory_space<vmem>> -> memref<128xi32, #tpu.memory_space<vmem>>
        %dma_start3A_102 = arith.constant 0 : i32
        %dma_start3A_103 = tpu.memref_slice %arg2[%dma_start3A_102] : memref<10000xf32, #tpu.memory_space<hbm>> -> memref<10000xf32, #tpu.memory_space<hbm>>
        tpu.enqueue_indirect_dma source(%dma_start3A_103 : memref<10000xf32, #tpu.memory_space<hbm>>) target(%arg12 : memref<128xf32, #tpu.memory_space<vmem>>) offsets(%dma_start3A_101 : memref<128xi32, #tpu.memory_space<vmem>>) semaphore(%arg16 : memref<!tpu.dma_semaphore, #tpu.memory_space<semaphore_mem>>)
      } else {
      }
    }
    %scan3A_32 = arith.constant 20 : i32
    %barrier3A_33 = arith.constant 0 : index
    tpu.barrier barrier_id(%barrier3A_33)
    %mul3A_34 = arith.constant 640 : i32
    %mul3A_35 = arith.muli %arg1, %mul3A_34 : i32
    %mul3A_36 = arith.constant 640 : i32
    %mul3A_37 = arith.muli %arg1, %mul3A_36 : i32
    "tpu.region"() ({
      %run_scoped3A = tpu.sem_alloc : memref<!tpu.dma_semaphore, #tpu.memory_space<semaphore_mem>>
      %dma_start3A_38 = tpu.memref_slice %arg6[%arg0, %mul3A_37] : memref<2x10240xf32, #tpu.memory_space<hbm>> -> memref<1x640xf32, #tpu.memory_space<hbm>>
      %dma_start3A_39 = tpu.memref_squeeze %dma_start3A_38 : memref<1x640xf32, #tpu.memory_space<hbm>> -> memref<640xf32, #tpu.memory_space<hbm>>
      %dma_start3A_40 = tpu.memref_slice %arg17[%mul3A_35] : memref<10240xf32, #tpu.memory_space<vmem_shared>> -> memref<640xf32, #tpu.memory_space<vmem_shared>>
      tpu.enqueue_dma source(%dma_start3A_40 : memref<640xf32, #tpu.memory_space<vmem_shared>>) target(%dma_start3A_39 : memref<640xf32, #tpu.memory_space<hbm>>) target_semaphore(%run_scoped3A : memref<!tpu.dma_semaphore, #tpu.memory_space<semaphore_mem>>)
      %dma_wait3A = tpu.memref_slice %arg6[%arg0, %mul3A_37] : memref<2x10240xf32, #tpu.memory_space<hbm>> -> memref<1x640xf32, #tpu.memory_space<hbm>>
      %dma_wait3A_41 = tpu.memref_squeeze %dma_wait3A : memref<1x640xf32, #tpu.memory_space<hbm>> -> memref<640xf32, #tpu.memory_space<hbm>>
      %dma_wait3A_42 = tpu.memref_slice %arg17[%mul3A_35] : memref<10240xf32, #tpu.memory_space<vmem_shared>> -> memref<640xf32, #tpu.memory_space<vmem_shared>>
      tpu.wait_dma2 semaphore(%run_scoped3A : memref<!tpu.dma_semaphore, #tpu.memory_space<semaphore_mem>>) src(%dma_wait3A_42 : memref<640xf32, #tpu.memory_space<vmem_shared>>) dst(%dma_wait3A_41 : memref<640xf32, #tpu.memory_space<hbm>>)
      tpu.yield
    }) : () -> ()
    return
  }
}

#map = affine_map<(d0, d1) -> (0, 0, 0)>
#map1 = affine_map<(d0, d1) -> (0)>
#map2 = affine_map<(d0, d1) -> (0, 0)>
module attributes {stable_mosaic.version = 14 : i64} {
  func.func @_sc_deg(%arg0: i32, %arg1: i32, %arg2: memref<32x80x128xi32, #tpu.memory_space<hbm>>, %arg3: memref<10240xf32, #tpu.memory_space<hbm>>, %arg4: memref<2x10240xf32, #tpu.memory_space<hbm>>, %arg5: memref<80x128xi32, #tpu.memory_space<vmem>>, %arg6: memref<128xf32, #tpu.memory_space<vmem>>, %arg7: memref<10240xf32, #tpu.memory_space<vmem_shared>>, %arg8: memref<!tpu.dma_semaphore, #tpu.memory_space<semaphore_mem>>) attributes {dimension_semantics = [#tpu.dimension_semantics<core_parallel>, #tpu.dimension_semantics<subcore_parallel>], iteration_bounds = array<i64: 2, 16>, scalar_prefetch = 0 : i64, scratch_operands = 4 : i64, tpu.core_type = #tpu.core_type<sc_vector_subcore>, window_params = [{transform_indices = #map}, {transform_indices = #map1}, {transform_indices = #map2}]} {
    %mul3A = arith.constant 2 : i32
    %mul3A_0 = arith.muli %arg1, %mul3A : i32
    %add3A = arith.addi %mul3A_0, %arg0 : i32
    %mul3A_1 = arith.constant 640 : i32
    %mul3A_2 = arith.muli %arg1, %mul3A_1 : i32
    %mul3A_3 = arith.constant 640 : i32
    %mul3A_4 = arith.muli %arg1, %mul3A_3 : i32
    "tpu.region"() ({
      %run_scoped3A = tpu.sem_alloc : memref<!tpu.dma_semaphore, #tpu.memory_space<semaphore_mem>>
      %dma_start3A = tpu.memref_slice %arg7[%mul3A_4] : memref<10240xf32, #tpu.memory_space<vmem_shared>> -> memref<640xf32, #tpu.memory_space<vmem_shared>>
      %dma_start3A_67 = tpu.memref_slice %arg3[%mul3A_2] : memref<10240xf32, #tpu.memory_space<hbm>> -> memref<640xf32, #tpu.memory_space<hbm>>
      tpu.enqueue_dma source(%dma_start3A_67 : memref<640xf32, #tpu.memory_space<hbm>>) target(%dma_start3A : memref<640xf32, #tpu.memory_space<vmem_shared>>) target_semaphore(%run_scoped3A : memref<!tpu.dma_semaphore, #tpu.memory_space<semaphore_mem>>)
      %dma_wait3A = tpu.memref_slice %arg7[%mul3A_4] : memref<10240xf32, #tpu.memory_space<vmem_shared>> -> memref<640xf32, #tpu.memory_space<vmem_shared>>
      %dma_wait3A_68 = tpu.memref_slice %arg3[%mul3A_2] : memref<10240xf32, #tpu.memory_space<hbm>> -> memref<640xf32, #tpu.memory_space<hbm>>
      tpu.wait_dma2 semaphore(%run_scoped3A : memref<!tpu.dma_semaphore, #tpu.memory_space<semaphore_mem>>) src(%dma_wait3A_68 : memref<640xf32, #tpu.memory_space<hbm>>) dst(%dma_wait3A : memref<640xf32, #tpu.memory_space<vmem_shared>>)
      tpu.yield
    }) : () -> ()
    "tpu.region"() ({
      %run_scoped3A = tpu.sem_alloc : memref<!tpu.dma_semaphore, #tpu.memory_space<semaphore_mem>>
      %dma_start3A = arith.constant 0 : i32
      %dma_start3A_67 = arith.constant 0 : i32
      %dma_start3A_68 = tpu.memref_slice %arg2[%add3A, %dma_start3A, %dma_start3A_67] : memref<32x80x128xi32, #tpu.memory_space<hbm>> -> memref<1x80x128xi32, #tpu.memory_space<hbm>>
      %dma_start3A_69 = tpu.memref_squeeze %dma_start3A_68 : memref<1x80x128xi32, #tpu.memory_space<hbm>> -> memref<80x128xi32, #tpu.memory_space<hbm>>
      %dma_start3A_70 = arith.constant 0 : i32
      %dma_start3A_71 = arith.constant 0 : i32
      %dma_start3A_72 = tpu.memref_slice %arg2[%add3A, %dma_start3A_70, %dma_start3A_71] : memref<32x80x128xi32, #tpu.memory_space<hbm>> -> memref<1x80x128xi32, #tpu.memory_space<hbm>>
      %dma_start3A_73 = tpu.memref_squeeze %dma_start3A_72 : memref<1x80x128xi32, #tpu.memory_space<hbm>> -> memref<80x128xi32, #tpu.memory_space<hbm>>
      tpu.enqueue_dma source(%dma_start3A_73 : memref<80x128xi32, #tpu.memory_space<hbm>>) target(%arg5 : memref<80x128xi32, #tpu.memory_space<vmem>>) target_semaphore(%run_scoped3A : memref<!tpu.dma_semaphore, #tpu.memory_space<semaphore_mem>>)
      %dma_wait3A = arith.constant 0 : i32
      %dma_wait3A_74 = arith.constant 0 : i32
      %dma_wait3A_75 = tpu.memref_slice %arg2[%add3A, %dma_wait3A, %dma_wait3A_74] : memref<32x80x128xi32, #tpu.memory_space<hbm>> -> memref<1x80x128xi32, #tpu.memory_space<hbm>>
      %dma_wait3A_76 = tpu.memref_squeeze %dma_wait3A_75 : memref<1x80x128xi32, #tpu.memory_space<hbm>> -> memref<80x128xi32, #tpu.memory_space<hbm>>
      %dma_wait3A_77 = arith.constant 0 : i32
      %dma_wait3A_78 = arith.constant 0 : i32
      %dma_wait3A_79 = tpu.memref_slice %arg2[%add3A, %dma_wait3A_77, %dma_wait3A_78] : memref<32x80x128xi32, #tpu.memory_space<hbm>> -> memref<1x80x128xi32, #tpu.memory_space<hbm>>
      %dma_wait3A_80 = tpu.memref_squeeze %dma_wait3A_79 : memref<1x80x128xi32, #tpu.memory_space<hbm>> -> memref<80x128xi32, #tpu.memory_space<hbm>>
      tpu.wait_dma2 semaphore(%run_scoped3A : memref<!tpu.dma_semaphore, #tpu.memory_space<semaphore_mem>>) src(%dma_wait3A_80 : memref<80x128xi32, #tpu.memory_space<hbm>>) dst(%arg5 : memref<80x128xi32, #tpu.memory_space<vmem>>)
      tpu.yield
    }) : () -> ()
    %broadcast_in_dim3A = arith.constant 1.000000e+00 : f32
    %broadcast_in_dim3A_5 = vector.broadcast %broadcast_in_dim3A : f32 to vector<16xf32>
    %swap3A = arith.constant 0 : index
    %swap3A_6 = tpu.vector_load %arg6[%swap3A] {strides = array<i32>} : memref<128xf32, #tpu.memory_space<vmem>>, vector<16xf32>,
    %swap3A_7 = vector.shape_cast %swap3A_6 : vector<16xf32> to vector<16xf32>
    %swap3A_8 = vector.shape_cast %broadcast_in_dim3A_5 : vector<16xf32> to vector<16xf32>
    tpu.vector_store %arg6[%swap3A], %swap3A_8 {strides = array<i32>} : memref<128xf32, #tpu.memory_space<vmem>>, vector<16xf32>,
    %broadcast_in_dim3A_9 = arith.constant 1.000000e+00 : f32
    %broadcast_in_dim3A_10 = vector.broadcast %broadcast_in_dim3A_9 : f32 to vector<16xf32>
    %swap3A_11 = arith.constant 16 : index
    %swap3A_12 = tpu.vector_load %arg6[%swap3A_11] {strides = array<i32>} : memref<128xf32, #tpu.memory_space<vmem>>, vector<16xf32>,
    %swap3A_13 = vector.shape_cast %swap3A_12 : vector<16xf32> to vector<16xf32>
    %swap3A_14 = vector.shape_cast %broadcast_in_dim3A_10 : vector<16xf32> to vector<16xf32>
    tpu.vector_store %arg6[%swap3A_11], %swap3A_14 {strides = array<i32>} : memref<128xf32, #tpu.memory_space<vmem>>, vector<16xf32>,
    %broadcast_in_dim3A_15 = arith.constant 1.000000e+00 : f32
    %broadcast_in_dim3A_16 = vector.broadcast %broadcast_in_dim3A_15 : f32 to vector<16xf32>
    %swap3A_17 = arith.constant 32 : index
    %swap3A_18 = tpu.vector_load %arg6[%swap3A_17] {strides = array<i32>} : memref<128xf32, #tpu.memory_space<vmem>>, vector<16xf32>,
    %swap3A_19 = vector.shape_cast %swap3A_18 : vector<16xf32> to vector<16xf32>
    %swap3A_20 = vector.shape_cast %broadcast_in_dim3A_16 : vector<16xf32> to vector<16xf32>
    tpu.vector_store %arg6[%swap3A_17], %swap3A_20 {strides = array<i32>} : memref<128xf32, #tpu.memory_space<vmem>>, vector<16xf32>,
    %broadcast_in_dim3A_21 = arith.constant 1.000000e+00 : f32
    %broadcast_in_dim3A_22 = vector.broadcast %broadcast_in_dim3A_21 : f32 to vector<16xf32>
    %swap3A_23 = arith.constant 48 : index
    %swap3A_24 = tpu.vector_load %arg6[%swap3A_23] {strides = array<i32>} : memref<128xf32, #tpu.memory_space<vmem>>, vector<16xf32>,
    %swap3A_25 = vector.shape_cast %swap3A_24 : vector<16xf32> to vector<16xf32>
    %swap3A_26 = vector.shape_cast %broadcast_in_dim3A_22 : vector<16xf32> to vector<16xf32>
    tpu.vector_store %arg6[%swap3A_23], %swap3A_26 {strides = array<i32>} : memref<128xf32, #tpu.memory_space<vmem>>, vector<16xf32>,
    %broadcast_in_dim3A_27 = arith.constant 1.000000e+00 : f32
    %broadcast_in_dim3A_28 = vector.broadcast %broadcast_in_dim3A_27 : f32 to vector<16xf32>
    %swap3A_29 = arith.constant 64 : index
    %swap3A_30 = tpu.vector_load %arg6[%swap3A_29] {strides = array<i32>} : memref<128xf32, #tpu.memory_space<vmem>>, vector<16xf32>,
    %swap3A_31 = vector.shape_cast %swap3A_30 : vector<16xf32> to vector<16xf32>
    %swap3A_32 = vector.shape_cast %broadcast_in_dim3A_28 : vector<16xf32> to vector<16xf32>
    tpu.vector_store %arg6[%swap3A_29], %swap3A_32 {strides = array<i32>} : memref<128xf32, #tpu.memory_space<vmem>>, vector<16xf32>,
    %broadcast_in_dim3A_33 = arith.constant 1.000000e+00 : f32
    %broadcast_in_dim3A_34 = vector.broadcast %broadcast_in_dim3A_33 : f32 to vector<16xf32>
    %swap3A_35 = arith.constant 80 : index
    %swap3A_36 = tpu.vector_load %arg6[%swap3A_35] {strides = array<i32>} : memref<128xf32, #tpu.memory_space<vmem>>, vector<16xf32>,
    %swap3A_37 = vector.shape_cast %swap3A_36 : vector<16xf32> to vector<16xf32>
    %swap3A_38 = vector.shape_cast %broadcast_in_dim3A_34 : vector<16xf32> to vector<16xf32>
    tpu.vector_store %arg6[%swap3A_35], %swap3A_38 {strides = array<i32>} : memref<128xf32, #tpu.memory_space<vmem>>, vector<16xf32>,
    %broadcast_in_dim3A_39 = arith.constant 1.000000e+00 : f32
    %broadcast_in_dim3A_40 = vector.broadcast %broadcast_in_dim3A_39 : f32 to vector<16xf32>
    %swap3A_41 = arith.constant 96 : index
    %swap3A_42 = tpu.vector_load %arg6[%swap3A_41] {strides = array<i32>} : memref<128xf32, #tpu.memory_space<vmem>>, vector<16xf32>,
    %swap3A_43 = vector.shape_cast %swap3A_42 : vector<16xf32> to vector<16xf32>
    %swap3A_44 = vector.shape_cast %broadcast_in_dim3A_40 : vector<16xf32> to vector<16xf32>
    tpu.vector_store %arg6[%swap3A_41], %swap3A_44 {strides = array<i32>} : memref<128xf32, #tpu.memory_space<vmem>>, vector<16xf32>,
    %broadcast_in_dim3A_45 = arith.constant 1.000000e+00 : f32
    %broadcast_in_dim3A_46 = vector.broadcast %broadcast_in_dim3A_45 : f32 to vector<16xf32>
    %swap3A_47 = arith.constant 112 : index
    %swap3A_48 = tpu.vector_load %arg6[%swap3A_47] {strides = array<i32>} : memref<128xf32, #tpu.memory_space<vmem>>, vector<16xf32>,
    %swap3A_49 = vector.shape_cast %swap3A_48 : vector<16xf32> to vector<16xf32>
    %swap3A_50 = vector.shape_cast %broadcast_in_dim3A_46 : vector<16xf32> to vector<16xf32>
    tpu.vector_store %arg6[%swap3A_47], %swap3A_50 {strides = array<i32>} : memref<128xf32, #tpu.memory_space<vmem>>, vector<16xf32>,
    %barrier3A = arith.constant 0 : index
    tpu.barrier barrier_id(%barrier3A)
    %scan3A = arith.constant 0 : i32
    %scan3A_51 = arith.constant 0 : i32
    %scan3A_52 = arith.constant 80 : i32
    %scan3A_53 = arith.addi %scan3A_51, %scan3A_52 : i32
    %scan3A_54 = arith.constant 1 : i32
    scf.for %scan3A_67 = %scan3A_51 to %scan3A_53 step %scan3A_54  : i32 {
      %dma_start3A = arith.constant 0 : i32
      %dma_start3A_68 = tpu.memref_slice %arg5[%scan3A_67, %dma_start3A] : memref<80x128xi32, #tpu.memory_space<vmem>> -> memref<1x128xi32, #tpu.memory_space<vmem>>
      %dma_start3A_69 = tpu.memref_squeeze %dma_start3A_68 : memref<1x128xi32, #tpu.memory_space<vmem>> -> memref<128xi32, #tpu.memory_space<vmem>>
      %dma_start3A_70 = arith.constant 0 : i32
      %dma_start3A_71 = tpu.memref_slice %arg7[%dma_start3A_70] : memref<10240xf32, #tpu.memory_space<vmem_shared>> -> memref<10240xf32, #tpu.memory_space<vmem_shared>>
      tpu.enqueue_indirect_dma source(%arg6 : memref<128xf32, #tpu.memory_space<vmem>>) target(%dma_start3A_71 : memref<10240xf32, #tpu.memory_space<vmem_shared>>) offsets(%dma_start3A_69 : memref<128xi32, #tpu.memory_space<vmem>>) semaphore(%arg8 : memref<!tpu.dma_semaphore, #tpu.memory_space<semaphore_mem>>) {add = true}
    }
    %scan3A_55 = arith.constant 80 : i32
    %scan3A_56 = arith.constant 0 : i32
    %scan3A_57 = arith.constant 0 : i32
    %scan3A_58 = arith.constant 80 : i32
    %scan3A_59 = arith.addi %scan3A_57, %scan3A_58 : i32
    %scan3A_60 = arith.constant 1 : i32
    scf.for %scan3A_67 = %scan3A_57 to %scan3A_59 step %scan3A_60  : i32 {
      %dma_wait3A = arith.constant 0 : i32
      %dma_wait3A_68 = tpu.memref_slice %arg5[%scan3A_67, %dma_wait3A] : memref<80x128xi32, #tpu.memory_space<vmem>> -> memref<1x128xi32, #tpu.memory_space<vmem>>
      %dma_wait3A_69 = tpu.memref_squeeze %dma_wait3A_68 : memref<1x128xi32, #tpu.memory_space<vmem>> -> memref<128xi32, #tpu.memory_space<vmem>>
      %dma_wait3A_70 = arith.constant 0 : i32
      %dma_wait3A_71 = tpu.memref_slice %arg7[%dma_wait3A_70] : memref<10240xf32, #tpu.memory_space<vmem_shared>> -> memref<10240xf32, #tpu.memory_space<vmem_shared>>
      tpu.wait_indirect_dma semaphore(%arg8 : memref<!tpu.dma_semaphore, #tpu.memory_space<semaphore_mem>>) src(%arg6 : memref<128xf32, #tpu.memory_space<vmem>>) dst(%dma_wait3A_71 : memref<10240xf32, #tpu.memory_space<vmem_shared>>)
    }
    %scan3A_61 = arith.constant 80 : i32
    %barrier3A_62 = arith.constant 0 : index
    tpu.barrier barrier_id(%barrier3A_62)
    %mul3A_63 = arith.constant 640 : i32
    %mul3A_64 = arith.muli %arg1, %mul3A_63 : i32
    %mul3A_65 = arith.constant 640 : i32
    %mul3A_66 = arith.muli %arg1, %mul3A_65 : i32
    "tpu.region"() ({
      %run_scoped3A = tpu.sem_alloc : memref<!tpu.dma_semaphore, #tpu.memory_space<semaphore_mem>>
      %dma_start3A = tpu.memref_slice %arg4[%arg0, %mul3A_66] : memref<2x10240xf32, #tpu.memory_space<hbm>> -> memref<1x640xf32, #tpu.memory_space<hbm>>
      %dma_start3A_67 = tpu.memref_squeeze %dma_start3A : memref<1x640xf32, #tpu.memory_space<hbm>> -> memref<640xf32, #tpu.memory_space<hbm>>
      %dma_start3A_68 = tpu.memref_slice %arg7[%mul3A_64] : memref<10240xf32, #tpu.memory_space<vmem_shared>> -> memref<640xf32, #tpu.memory_space<vmem_shared>>
      tpu.enqueue_dma source(%dma_start3A_68 : memref<640xf32, #tpu.memory_space<vmem_shared>>) target(%dma_start3A_67 : memref<640xf32, #tpu.memory_space<hbm>>) target_semaphore(%run_scoped3A : memref<!tpu.dma_semaphore, #tpu.memory_space<semaphore_mem>>)
      %dma_wait3A = tpu.memref_slice %arg4[%arg0, %mul3A_66] : memref<2x10240xf32, #tpu.memory_space<hbm>> -> memref<1x640xf32, #tpu.memory_space<hbm>>
      %dma_wait3A_69 = tpu.memref_squeeze %dma_wait3A : memref<1x640xf32, #tpu.memory_space<hbm>> -> memref<640xf32, #tpu.memory_space<hbm>>
      %dma_wait3A_70 = tpu.memref_slice %arg7[%mul3A_64] : memref<10240xf32, #tpu.memory_space<vmem_shared>> -> memref<640xf32, #tpu.memory_space<vmem_shared>>
      tpu.wait_dma2 semaphore(%run_scoped3A : memref<!tpu.dma_semaphore, #tpu.memory_space<semaphore_mem>>) src(%dma_wait3A_70 : memref<640xf32, #tpu.memory_space<vmem_shared>>) dst(%dma_wait3A_69 : memref<640xf32, #tpu.memory_space<hbm>>)
      tpu.yield
    }) : () -> ()
    return
  }
}

module attributes {stable_mosaic.version = 14 : i64} {
  func.func @_tc_prep_body(%arg0: i32, %arg1: memref<1x1x400xf32, #tpu.memory_space<vmem>>, %arg2: memref<1x1x400xf32, #tpu.memory_space<vmem>>, %arg3: memref<400x128xf32, #tpu.memory_space<vmem>>, %arg4: memref<128x128xf32, #tpu.memory_space<vmem>>, %arg5: memref<400x128xf32, #tpu.memory_space<vmem>>, %arg6: memref<1x1x400xf32, #tpu.memory_space<vmem>>) attributes {dimension_semantics = [#tpu.dimension_semantics<arbitrary>], iteration_bounds = array<i64: 25>, scalar_prefetch = 0 : i64, scratch_operands = 0 : i64, tpu.core_type = #tpu.core_type<tc>, window_params = [{transform_indices = @transform_0, window_bounds = array<i64: 1, 1, 400>}, {transform_indices = @transform_1, window_bounds = array<i64: 1, 1, 400>}, {transform_indices = @transform_2, window_bounds = array<i64: 400, 128>}, {pipeline_mode = #tpu.pipeline_mode<synchronous>, transform_indices = @transform_3, window_bounds = array<i64: 128, 128>}, {transform_indices = @transform_4, window_bounds = array<i64: 400, 128>}, {transform_indices = @transform_5, window_bounds = array<i64: 1, 1, 400>}]} {
    %get3A = arith.constant 0 : index
    %get3A_0 = arith.constant 0 : index
    %get3A_1 = arith.constant 0 : index
    %get3A_2 = vector.load %arg1[%get3A, %get3A_0, %get3A_1] : memref<1x1x400xf32, #tpu.memory_space<vmem>>, vector<1x1x400xf32>
    %get3A_3 = vector.shape_cast %get3A_2 : vector<1x1x400xf32> to vector<400xf32>
    %add3A = arith.constant 1.000000e+00 : f32
    %add3A_4 = vector.broadcast %add3A : f32 to vector<400xf32>
    %add3A_5 = arith.addf %add3A_4, %get3A_3 : vector<400xf32>
    %get3A_6 = arith.constant 0 : index
    %get3A_7 = arith.constant 0 : index
    %get3A_8 = arith.constant 0 : index
    %get3A_9 = vector.load %arg2[%get3A_6, %get3A_7, %get3A_8] : memref<1x1x400xf32, #tpu.memory_space<vmem>>, vector<1x1x400xf32>
    %get3A_10 = vector.shape_cast %get3A_9 : vector<1x1x400xf32> to vector<400xf32>
    %add3A_11 = arith.addf %add3A_5, %get3A_10 : vector<400xf32>
    %rsqrt3A = math.rsqrt %add3A_11 : vector<400xf32>
    %get3A_12 = arith.constant 0 : index
    %get3A_13 = arith.constant 0 : index
    %get3A_14 = vector.load %arg3[%get3A_12, %get3A_13] : memref<400x128xf32, #tpu.memory_space<vmem>>, vector<400x128xf32>
    %get3A_15 = arith.constant 0 : index
    %get3A_16 = arith.constant 0 : index
    %get3A_17 = vector.load %arg4[%get3A_15, %get3A_16] : memref<128x128xf32, #tpu.memory_space<vmem>>, vector<128x128xf32>
    %dot_general3A = arith.constant dense<0.000000e+00> : vector<400x128xf32>
    %dot_general3A_18 = tpu.matmul %get3A_14, %get3A_17, %dot_general3A {dimension_numbers = #tpu.dot_dimension_numbers<[1], [0], [0], [1], [0, 0, 1, 1], [], []>, transpose_lhs_hint = false} : vector<400x128xf32>, vector<128x128xf32>, vector<400x128xf32> -> vector<400x128xf32>
    %broadcast_in_dim3A = vector.shape_cast %rsqrt3A : vector<400xf32> to vector<400x1xf32>
    %mul3A = vector.broadcast %broadcast_in_dim3A : vector<400x1xf32> to vector<400x128xf32>
    %mul3A_19 = arith.mulf %dot_general3A_18, %mul3A : vector<400x128xf32>
    %swap3A = arith.constant 0 : index
    %swap3A_20 = arith.constant 0 : index
    %swap3A_21 = vector.load %arg5[%swap3A, %swap3A_20] : memref<400x128xf32, #tpu.memory_space<vmem>>, vector<400x128xf32>
    tpu.vector_store %arg5[%swap3A, %swap3A_20], %mul3A_19 {strides = array<i32>} : memref<400x128xf32, #tpu.memory_space<vmem>>, vector<400x128xf32>,
    %swap3A_22 = arith.constant 0 : index
    %swap3A_23 = arith.constant 0 : index
    %swap3A_24 = arith.constant 0 : index
    %swap3A_25 = vector.load %arg6[%swap3A_22, %swap3A_23, %swap3A_24] : memref<1x1x400xf32, #tpu.memory_space<vmem>>, vector<1x1x400xf32>
    %swap3A_26 = vector.shape_cast %swap3A_25 : vector<1x1x400xf32> to vector<400xf32>
    %swap3A_27 = vector.shape_cast %rsqrt3A : vector<400xf32> to vector<1x1x400xf32>
    tpu.vector_store %arg6[%swap3A_22, %swap3A_23, %swap3A_24], %swap3A_27 {strides = array<i32>} : memref<1x1x400xf32, #tpu.memory_space<vmem>>, vector<1x1x400xf32>,
    return
  }
  func.func @transform_0(%arg0: i32) -> (i32, i32, i32) {
    %c0_i32 = arith.constant 0 : i32
    %c0_i32_0 = arith.constant 0 : i32
    %c0_i32_1 = arith.constant 0 : i32
    return %arg0, %c0_i32, %c0_i32_0 : i32, i32, i32
  }
  func.func @transform_1(%arg0: i32) -> (i32, i32, i32) {
    %c0_i32 = arith.constant 0 : i32
    %c0_i32_0 = arith.constant 0 : i32
    %c0_i32_1 = arith.constant 0 : i32
    return %arg0, %c0_i32, %c0_i32_0 : i32, i32, i32
  }
  func.func @transform_2(%arg0: i32) -> (i32, i32) {
    %c0_i32 = arith.constant 0 : i32
    %c0_i32_0 = arith.constant 0 : i32
    return %arg0, %c0_i32 : i32, i32
  }
  func.func @transform_3(%arg0: i32) -> (i32, i32) {
    %c0_i32 = arith.constant 0 : i32
    %c0_i32_0 = arith.constant 0 : i32
    %c0_i32_1 = arith.constant 0 : i32
    return %c0_i32, %c0_i32_0 : i32, i32
  }
  func.func @transform_4(%arg0: i32) -> (i32, i32) {
    %c0_i32 = arith.constant 0 : i32
    %c0_i32_0 = arith.constant 0 : i32
    return %arg0, %c0_i32 : i32, i32
  }
  func.func @transform_5(%arg0: i32) -> (i32, i32, i32) {
    %c0_i32 = arith.constant 0 : i32
    %c0_i32_0 = arith.constant 0 : i32
    %c0_i32_1 = arith.constant 0 : i32
    return %arg0, %c0_i32, %c0_i32_0 : i32, i32, i32
  }
}

module attributes {stable_mosaic.version = 14 : i64} {
  func.func @_tc_mid_body(%arg0: i32, %arg1: memref<400x128xf32, #tpu.memory_space<vmem>>, %arg2: memref<400x128xf32, #tpu.memory_space<vmem>>, %arg3: memref<400x128xf32, #tpu.memory_space<vmem>>, %arg4: memref<1x1x400xf32, #tpu.memory_space<vmem>>, %arg5: memref<1x128xf32, #tpu.memory_space<vmem>>, %arg6: memref<128x128xf32, #tpu.memory_space<vmem>>, %arg7: memref<1x1x400xf32, #tpu.memory_space<vmem>>) attributes {dimension_semantics = [#tpu.dimension_semantics<arbitrary>], iteration_bounds = array<i64: 25>, scalar_prefetch = 0 : i64, scratch_operands = 0 : i64, tpu.core_type = #tpu.core_type<tc>, window_params = [{transform_indices = @transform_0, window_bounds = array<i64: 400, 128>}, {transform_indices = @transform_1, window_bounds = array<i64: 400, 128>}, {transform_indices = @transform_2, window_bounds = array<i64: 400, 128>}, {transform_indices = @transform_3, window_bounds = array<i64: 1, 1, 400>}, {pipeline_mode = #tpu.pipeline_mode<synchronous>, transform_indices = @transform_4, window_bounds = array<i64: 1, 128>}, {pipeline_mode = #tpu.pipeline_mode<synchronous>, transform_indices = @transform_5, window_bounds = array<i64: 128, 128>}, {transform_indices = @transform_6, window_bounds = array<i64: 1, 1, 400>}]} {
    %get3A = arith.constant 0 : index
    %get3A_0 = arith.constant 0 : index
    %get3A_1 = arith.constant 0 : index
    %get3A_2 = vector.load %arg4[%get3A, %get3A_0, %get3A_1] : memref<1x1x400xf32, #tpu.memory_space<vmem>>, vector<1x1x400xf32>
    %get3A_3 = vector.shape_cast %get3A_2 : vector<1x1x400xf32> to vector<400xf32>
    %get3A_4 = arith.constant 0 : index
    %get3A_5 = arith.constant 0 : index
    %get3A_6 = vector.load %arg1[%get3A_4, %get3A_5] : memref<400x128xf32, #tpu.memory_space<vmem>>, vector<400x128xf32>
    %get3A_7 = arith.constant 0 : index
    %get3A_8 = arith.constant 0 : index
    %get3A_9 = vector.load %arg2[%get3A_7, %get3A_8] : memref<400x128xf32, #tpu.memory_space<vmem>>, vector<400x128xf32>
    %add3A = arith.addf %get3A_6, %get3A_9 : vector<400x128xf32>
    %get3A_10 = arith.constant 0 : index
    %get3A_11 = arith.constant 0 : index
    %get3A_12 = vector.load %arg3[%get3A_10, %get3A_11] : memref<400x128xf32, #tpu.memory_space<vmem>>, vector<400x128xf32>
    %add3A_13 = arith.addf %add3A, %get3A_12 : vector<400x128xf32>
    %broadcast_in_dim3A = vector.shape_cast %get3A_3 : vector<400xf32> to vector<400x1xf32>
    %mul3A = vector.broadcast %broadcast_in_dim3A : vector<400x1xf32> to vector<400x128xf32>
    %mul3A_14 = arith.mulf %add3A_13, %mul3A : vector<400x128xf32>
    %get3A_15 = arith.constant 0 : index
    %get3A_16 = arith.constant 0 : index
    %get3A_17 = vector.load %arg5[%get3A_15, %get3A_16] : memref<1x128xf32, #tpu.memory_space<vmem>>, vector<1x128xf32>
    %add3A_18 = vector.broadcast %get3A_17 : vector<1x128xf32> to vector<400x128xf32>
    %add3A_19 = arith.addf %mul3A_14, %add3A_18 : vector<400x128xf32>
    %ge3A = arith.constant 0.000000e+00 : f32
    %ge3A_20 = vector.broadcast %ge3A : f32 to vector<400x128xf32>
    %ge3A_21 = arith.cmpf oge, %add3A_19, %ge3A_20 : vector<400x128xf32>
    %mul3A_22 = arith.constant 1.000000e-01 : f32
    %mul3A_23 = vector.broadcast %mul3A_22 : f32 to vector<400x128xf32>
    %mul3A_24 = arith.mulf %mul3A_23, %add3A_19 : vector<400x128xf32>
    %select_n3A = arith.select %ge3A_21, %add3A_19, %mul3A_24 : vector<400x128xi1>, vector<400x128xf32>
    %get3A_25 = arith.constant 0 : index
    %get3A_26 = arith.constant 0 : index
    %get3A_27 = vector.load %arg6[%get3A_25, %get3A_26] : memref<128x128xf32, #tpu.memory_space<vmem>>, vector<128x128xf32>
    %reduce_sum3A = arith.constant dense<0.000000e+00> : vector<128xf32>
    %reduce_sum3A_28 = vector.multi_reduction <add>, %get3A_27, %reduce_sum3A [1] : vector<128x128xf32> to vector<128xf32>
    %div3A = arith.constant 1.280000e+02 : f32
    %div3A_29 = vector.broadcast %div3A : f32 to vector<128xf32>
    %div3A_30 = arith.divf %reduce_sum3A_28, %div3A_29 : vector<128xf32>
    %broadcast_in_dim3A_31 = vector.shape_cast %div3A_30 : vector<128xf32> to vector<1x128xf32>
    %mul3A_32 = vector.broadcast %broadcast_in_dim3A_31 : vector<1x128xf32> to vector<400x128xf32>
    %mul3A_33 = arith.mulf %select_n3A, %mul3A_32 : vector<400x128xf32>
    %reduce_sum3A_34 = arith.constant dense<0.000000e+00> : vector<400xf32>
    %reduce_sum3A_35 = vector.multi_reduction <add>, %mul3A_33, %reduce_sum3A_34 [1] : vector<400x128xf32> to vector<400xf32>
    %mul3A_36 = arith.mulf %reduce_sum3A_35, %get3A_3 : vector<400xf32>
    %swap3A = arith.constant 0 : index
    %swap3A_37 = arith.constant 0 : index
    %swap3A_38 = arith.constant 0 : index
    %swap3A_39 = vector.load %arg7[%swap3A, %swap3A_37, %swap3A_38] : memref<1x1x400xf32, #tpu.memory_space<vmem>>, vector<1x1x400xf32>
    %swap3A_40 = vector.shape_cast %swap3A_39 : vector<1x1x400xf32> to vector<400xf32>
    %swap3A_41 = vector.shape_cast %mul3A_36 : vector<400xf32> to vector<1x1x400xf32>
    tpu.vector_store %arg7[%swap3A, %swap3A_37, %swap3A_38], %swap3A_41 {strides = array<i32>} : memref<1x1x400xf32, #tpu.memory_space<vmem>>, vector<1x1x400xf32>,
    return
  }
  func.func @transform_0(%arg0: i32) -> (i32, i32) {
    %c0_i32 = arith.constant 0 : i32
    %c0_i32_0 = arith.constant 0 : i32
    return %arg0, %c0_i32 : i32, i32
  }
  func.func @transform_1(%arg0: i32) -> (i32, i32) {
    %c0_i32 = arith.constant 0 : i32
    %c0_i32_0 = arith.constant 0 : i32
    return %arg0, %c0_i32 : i32, i32
  }
  func.func @transform_2(%arg0: i32) -> (i32, i32) {
    %c0_i32 = arith.constant 0 : i32
    %c0_i32_0 = arith.constant 0 : i32
    return %arg0, %c0_i32 : i32, i32
  }
  func.func @transform_3(%arg0: i32) -> (i32, i32, i32) {
    %c0_i32 = arith.constant 0 : i32
    %c0_i32_0 = arith.constant 0 : i32
    %c0_i32_1 = arith.constant 0 : i32
    return %arg0, %c0_i32, %c0_i32_0 : i32, i32, i32
  }
  func.func @transform_4(%arg0: i32) -> (i32, i32) {
    %c0_i32 = arith.constant 0 : i32
    %c0_i32_0 = arith.constant 0 : i32
    %c0_i32_1 = arith.constant 0 : i32
    return %c0_i32, %c0_i32_0 : i32, i32
  }
  func.func @transform_5(%arg0: i32) -> (i32, i32) {
    %c0_i32 = arith.constant 0 : i32
    %c0_i32_0 = arith.constant 0 : i32
    %c0_i32_1 = arith.constant 0 : i32
    return %c0_i32, %c0_i32_0 : i32, i32
  }
  func.func @transform_6(%arg0: i32) -> (i32, i32, i32) {
    %c0_i32 = arith.constant 0 : i32
    %c0_i32_0 = arith.constant 0 : i32
    %c0_i32_1 = arith.constant 0 : i32
    return %arg0, %c0_i32, %c0_i32_0 : i32, i32, i32
  }
}

module attributes {stable_mosaic.version = 14 : i64} {
  func.func @_tc_fin_body(%arg0: i32, %arg1: memref<1x1x400xf32, #tpu.memory_space<vmem>>, %arg2: memref<1x1x400xf32, #tpu.memory_space<vmem>>, %arg3: memref<1x1x400xf32, #tpu.memory_space<vmem>>, %arg4: memref<1x1x400xf32, #tpu.memory_space<vmem>>, %arg5: memref<1x128xf32, #tpu.memory_space<vmem>>, %arg6: memref<1x1x400xf32, #tpu.memory_space<vmem>>) attributes {dimension_semantics = [#tpu.dimension_semantics<arbitrary>], iteration_bounds = array<i64: 25>, scalar_prefetch = 0 : i64, scratch_operands = 0 : i64, tpu.core_type = #tpu.core_type<tc>, window_params = [{transform_indices = @transform_0, window_bounds = array<i64: 1, 1, 400>}, {transform_indices = @transform_1, window_bounds = array<i64: 1, 1, 400>}, {transform_indices = @transform_2, window_bounds = array<i64: 1, 1, 400>}, {transform_indices = @transform_3, window_bounds = array<i64: 1, 1, 400>}, {pipeline_mode = #tpu.pipeline_mode<synchronous>, transform_indices = @transform_4, window_bounds = array<i64: 1, 128>}, {transform_indices = @transform_5, window_bounds = array<i64: 1, 1, 400>}]} {
    %get3A = arith.constant 0 : index
    %get3A_0 = arith.constant 0 : index
    %get3A_1 = arith.constant 0 : index
    %get3A_2 = vector.load %arg1[%get3A, %get3A_0, %get3A_1] : memref<1x1x400xf32, #tpu.memory_space<vmem>>, vector<1x1x400xf32>
    %get3A_3 = vector.shape_cast %get3A_2 : vector<1x1x400xf32> to vector<400xf32>
    %get3A_4 = arith.constant 0 : index
    %get3A_5 = arith.constant 0 : index
    %get3A_6 = arith.constant 0 : index
    %get3A_7 = vector.load %arg2[%get3A_4, %get3A_5, %get3A_6] : memref<1x1x400xf32, #tpu.memory_space<vmem>>, vector<1x1x400xf32>
    %get3A_8 = vector.shape_cast %get3A_7 : vector<1x1x400xf32> to vector<400xf32>
    %add3A = arith.addf %get3A_3, %get3A_8 : vector<400xf32>
    %get3A_9 = arith.constant 0 : index
    %get3A_10 = arith.constant 0 : index
    %get3A_11 = arith.constant 0 : index
    %get3A_12 = vector.load %arg3[%get3A_9, %get3A_10, %get3A_11] : memref<1x1x400xf32, #tpu.memory_space<vmem>>, vector<1x1x400xf32>
    %get3A_13 = vector.shape_cast %get3A_12 : vector<1x1x400xf32> to vector<400xf32>
    %add3A_14 = arith.addf %add3A, %get3A_13 : vector<400xf32>
    %get3A_15 = arith.constant 0 : index
    %get3A_16 = arith.constant 0 : index
    %get3A_17 = arith.constant 0 : index
    %get3A_18 = vector.load %arg4[%get3A_15, %get3A_16, %get3A_17] : memref<1x1x400xf32, #tpu.memory_space<vmem>>, vector<1x1x400xf32>
    %get3A_19 = vector.shape_cast %get3A_18 : vector<1x1x400xf32> to vector<400xf32>
    %mul3A = arith.mulf %get3A_19, %add3A_14 : vector<400xf32>
    %get3A_20 = arith.constant 0 : index
    %get3A_21 = arith.constant 0 : index
    %get3A_22 = vector.load %arg5[%get3A_20, %get3A_21] : memref<1x128xf32, #tpu.memory_space<vmem>>, vector<1x128xf32>
    %reduce_sum3A = vector.shape_cast %get3A_22 : vector<1x128xf32> to vector<1x1x128xf32>
    %reduce_sum3A_23 = arith.constant dense<0.000000e+00> : vector<1xf32>
    %reduce_sum3A_24 = vector.multi_reduction <add>, %reduce_sum3A, %reduce_sum3A_23 [1, 2] : vector<1x1x128xf32> to vector<1xf32>
    %reduce_sum3A_25 = vector.shape_cast %reduce_sum3A_24 : vector<1xf32> to vector<1x1x1xf32>
    %reduce_sum3A_26 = vector.extract %reduce_sum3A_25[0, 0, 0] : f32 from vector<1x1x1xf32>
    %div3A = arith.constant 1.280000e+02 : f32
    %div3A_27 = arith.divf %reduce_sum3A_26, %div3A : f32
    %add3A_28 = vector.broadcast %div3A_27 : f32 to vector<400xf32>
    %add3A_29 = arith.addf %mul3A, %add3A_28 : vector<400xf32>
    %swap3A = arith.constant 0 : index
    %swap3A_30 = arith.constant 0 : index
    %swap3A_31 = arith.constant 0 : index
    %swap3A_32 = vector.load %arg6[%swap3A, %swap3A_30, %swap3A_31] : memref<1x1x400xf32, #tpu.memory_space<vmem>>, vector<1x1x400xf32>
    %swap3A_33 = vector.shape_cast %swap3A_32 : vector<1x1x400xf32> to vector<400xf32>
    %swap3A_34 = vector.shape_cast %add3A_29 : vector<400xf32> to vector<1x1x400xf32>
    tpu.vector_store %arg6[%swap3A, %swap3A_30, %swap3A_31], %swap3A_34 {strides = array<i32>} : memref<1x1x400xf32, #tpu.memory_space<vmem>>, vector<1x1x400xf32>,
    return
  }
  func.func @transform_0(%arg0: i32) -> (i32, i32, i32) {
    %c0_i32 = arith.constant 0 : i32
    %c0_i32_0 = arith.constant 0 : i32
    %c0_i32_1 = arith.constant 0 : i32
    return %arg0, %c0_i32, %c0_i32_0 : i32, i32, i32
  }
  func.func @transform_1(%arg0: i32) -> (i32, i32, i32) {
    %c0_i32 = arith.constant 0 : i32
    %c0_i32_0 = arith.constant 0 : i32
    %c0_i32_1 = arith.constant 0 : i32
    return %arg0, %c0_i32, %c0_i32_0 : i32, i32, i32
  }
  func.func @transform_2(%arg0: i32) -> (i32, i32, i32) {
    %c0_i32 = arith.constant 0 : i32
    %c0_i32_0 = arith.constant 0 : i32
    %c0_i32_1 = arith.constant 0 : i32
    return %arg0, %c0_i32, %c0_i32_0 : i32, i32, i32
  }
  func.func @transform_3(%arg0: i32) -> (i32, i32, i32) {
    %c0_i32 = arith.constant 0 : i32
    %c0_i32_0 = arith.constant 0 : i32
    %c0_i32_1 = arith.constant 0 : i32
    return %arg0, %c0_i32, %c0_i32_0 : i32, i32, i32
  }
  func.func @transform_4(%arg0: i32) -> (i32, i32) {
    %c0_i32 = arith.constant 0 : i32
    %c0_i32_0 = arith.constant 0 : i32
    %c0_i32_1 = arith.constant 0 : i32
    return %c0_i32, %c0_i32_0 : i32, i32
  }
  func.func @transform_5(%arg0: i32) -> (i32, i32, i32) {
    %c0_i32 = arith.constant 0 : i32
    %c0_i32_0 = arith.constant 0 : i32
    %c0_i32_1 = arith.constant 0 : i32
    return %arg0, %c0_i32, %c0_i32_0 : i32, i32, i32
  }
}

</mosaic_0001>

<sc_bundles>
// kernel: kernel.11.cloned.1.call-start
scs
__scs_entry_jumppad:
0x0: {  	(pc) =	sbr.rel $0x88, $3  }
0x1: {  	(tag) =	ssettag $0x0;
	lr =	simm.s32 $0x1  }
0x2: {  	[smem:$0x3F9B] =	sst lr;
	_ =	strace $0xD0000000  }
0x3: {  	_ = 	snop  }
0x4: {  	_ = 	snop  }
0x5: {  	_ = 	snop  }
0x6: {  	_ = 	snop  }
0x7: {  	_ = 	snop  }
__scs_overlays_trampoline_lowered:
0x8: {  	[smem:$0x3FAA] =	sst s0  }
0x9: {  	[smem:$0x3FAB] =	sst s1  }
0xa: {  	[smem:$0x3FAC] =	sst s2  }
0xb: {  	[smem:$0x3FAD] =	sst s3  }
0xc: {  	[smem:$0x3FAE] =	sst s4  }
0xd: {  	[smem:$0x3FAF] =	sst s5  }
0xe: {  	[smem:$0x3FB0] =	sst s6  }
0xf: {  	[smem:$0x3FB1] =	sst s7  }
0x10: {  	[smem:$0x3FB2] =	sst s8  }
0x11: {  	[smem:$0x3FB3] =	sst s9;
	s0 =	simm.s32 @!p0 $0x0  }
0x12: {  	s1 =	sld [smem:$0x3F99];
	s0 =	simm.s32 @p0 $0x1  }
0x13: {  	[smem:$0x3FB4] =	sst s0;
	s0 =	simm.s32 @!p1 $0x0  }
0x14: {  	s2 =	sld [smem:$0x3F98];
	s0 =	simm.s32 @p1 $0x1  }
0x15: {  	[smem:$0x3FB5] =	sst s0;
	s0 =	simm.s32 @!p2 $0x0  }
0x16: {  	s3 =	sld [smem:$0x3FDB];
	s0 =	simm.s32 @p2 $0x1  }
0x17: {  	s4 =	simm.s32 $0x1BF5;
	[smem:$0x3FB7] =	sst s0  }
0x18: {  	s0 =	sld [smem:$0x3F9A];
	_ =	swait.ge [sflag:s4], $0x0  }
0x19: {  	s7 =	sld [smem:$0x3F9B]  }
0x1a: {  	s8 =	sadd.s32 $0xFFFFE003, lr  }
0x1b: {  	s9 =	sadd.s32 $0xFFFFFEF7, lr;
	s5 =	simm.s32 $0xFFFFFFFF;
	p2 =	slt.u32 s8, $0xFFFFF086  }
0x1c: {  	p1 =	slt.u32 s9, $0xF7A;
	s5 =	simm.s32 @!p2 $0x0  }
0x1d: {  	s5 =	simm.s32 @p1 $0x1;
	p0 =	seq.s32 s7, s2  }
0x1e: {  	s7 =	smul.u32 @!p0 $0xF7A, s2;
	p2 =	seq.s32 @!p0 s5, $0x0  }
0x1f: {  	s9 =	smul.u32 $0xF7A, s1;
	s8 =	simm.s32 @!p0 $0x1BF5;
	p2 =	por !p2, p0  }
0x20: {  	[sflag:s8] =	ssyncset.s32 @!p0 $0xFFFFF086;
	s6 =	sadd.s32 @!p0 s3, s7;
	s7 =	simm.s32 @!p0 $0x108  }
0x21: {  	s3 =	sadd.s32 s3, s9;
	s6 =	sadd.s32 @!p0 $0x88, s6;
	s7 =	simm.s32 @p2 $0x1082  }
0x22: {  	[simem:s7], [sflag:s8] =	dma.local @!p0 [hbm:s6], $0xF7A  }
0x23: {  	s9 =	sor.u32 $0xD0000000, s2;
	s6 =	simm.s32 $0x108;
	_ =	swait.ge @!p0 [sflag:s8], $0x0  }
0x24: {  	s3 =	sadd.s32 $0x88, s3;
	s6 =	simm.s32 @!p1 $0x1082;
	[sflag:s4] =	ssyncset.s32 $0xFFFFF086  }
0x25: {  	[simem:s6], [sflag:s4] =	dma.local [hbm:s3], $0xF7A  }
0x26: {  	[smem:$0x3F9B] =	sst s1;
	(tag) =	ssettag s2;
	_ =	strace s9  }
0x27: {  	s1 =	sld [smem:$0x3FAB]  }
0x28: {  	s2 =	sld [smem:$0x3FAC]  }
0x29: {  	s4 =	sld [smem:$0x3FAE]  }
0x2a: {  	p0 =	seq.s32 s5, $0x0;
	s5 =	sld [smem:$0x3FAF]  }
0x2b: {  	s6 =	sld [smem:$0x3FB0]  }
0x2c: {  	s7 =	sld [smem:$0x3FB1]  }
0x2d: {  	s3 =	simm.s32 $0x108;
	s8 =	sld [smem:$0x3FB2]  }
0x2e: {  	s3 =	simm.s32 @!p0 $0x1082;
	s9 =	sld [smem:$0x3FB3]  }
0x2f: {  	lr =	sadd.s32 s0, s3;
	s0 =	sld [smem:$0x3FAA]  }
0x30: {  	s3 =	sld [smem:$0x3FAD]  }
0x31: {  	[smem:$0x3FB6] =	sst s10  }
0x32: {  	s10 =	sld [smem:$0x3FB4];
	_ =	sdelay $0x3  }
0x33: {  	p0 =	seq.s32 s10, $0x1;
	s10 =	sld [smem:$0x3FB6];
	_ =	sdelay $0x3  }
0x34: {  	[smem:$0x3FB6] =	sst s10  }
0x35: {  	s10 =	sld [smem:$0x3FB5];
	_ =	sdelay $0x3  }
0x36: {  	p1 =	seq.s32 s10, $0x1;
	s10 =	sld [smem:$0x3FB6];
	_ =	sdelay $0x3  }
0x37: {  	[smem:$0x3FB6] =	sst s10  }
0x38: {  	s10 =	sld [smem:$0x3FB7]  }
0x39: {  	_ = 	snop;
	(pc) =	sbr.ind lr, $3  }
0x3a: {  	_ = 	snop  }
0x3b: {  	_ = 	snop  }
0x3c: {  	p2 =	seq.s32 s10, $0x1;
	s10 =	sld [smem:$0x3FB6]  }
0x3d: {  	_ =	shalt  }
0x3e: {  	_ =	shalt  }
0x3f: {  	_ =	shalt  }
0x40: {  	_ =	shalt  }
0x41: {  	_ =	shalt  }
0x42: {  	_ =	shalt  }
0x43: {  	_ =	shalt  }
0x44: {  	_ =	shalt  }
0x45: {  	_ =	shalt  }
0x46: {  	_ =	shalt  }
0x47: {  	_ =	shalt  }
0x48: {  	_ =	shalt  }
0x49: {  	_ =	shalt  }
0x4a: {  	_ =	shalt  }
0x4b: {  	_ =	shalt  }
0x4c: {  	_ =	shalt  }
0x4d: {  	_ =	shalt  }
0x4e: {  	_ =	shalt  }
0x4f: {  	_ =	shalt  }
0x50: {  	_ =	shalt  }
0x51: {  	_ =	shalt  }
0x52: {  	_ =	shalt  }
0x53: {  	_ =	shalt  }
0x54: {  	_ =	shalt  }
0x55: {  	_ =	shalt  }
0x56: {  	_ =	shalt  }
0x57: {  	_ =	shalt  }
0x58: {  	_ =	shalt  }
0x59: {  	_ =	shalt  }
0x5a: {  	_ =	shalt  }
0x5b: {  	_ =	shalt  }
0x5c: {  	_ =	shalt  }
0x5d: {  	_ =	shalt  }
0x5e: {  	_ =	shalt  }
0x5f: {  	_ =	shalt  }
0x60: {  	_ =	shalt  }
0x61: {  	_ =	shalt  }
0x62: {  	_ =	shalt  }
0x63: {  	_ =	shalt  }
0x64: {  	_ =	shalt  }
0x65: {  	_ =	shalt  }
0x66: {  	_ =	shalt  }
0x67: {  	_ =	shalt  }
0x68: {  	_ =	shalt  }
0x69: {  	_ =	shalt  }
0x6a: {  	_ =	shalt  }
0x6b: {  	_ =	shalt  }
0x6c: {  	_ =	shalt  }
0x6d: {  	_ =	shalt  }
0x6e: {  	_ =	shalt  }
0x6f: {  	_ =	shalt  }
0x70: {  	_ =	shalt  }
0x71: {  	_ =	shalt  }
0x72: {  	_ =	shalt  }
0x73: {  	_ =	shalt  }
0x74: {  	_ =	shalt  }
0x75: {  	_ =	shalt  }
0x76: {  	_ =	shalt  }
0x77: {  	_ =	shalt  }
0x78: {  	_ =	shalt  }
0x79: {  	_ =	shalt  }
0x7a: {  	_ =	shalt  }
0x7b: {  	_ =	shalt  }
0x7c: {  	_ =	shalt  }
0x7d: {  	_ =	shalt  }
0x7e: {  	_ =	shalt  }
0x7f: {  	_ =	shalt  }
0x80: {  	_ =	shalt  }
0x81: {  	_ =	shalt  }
0x82: {  	_ =	shalt  }
0x83: {  	_ =	shalt  }
0x84: {  	_ =	shalt  }
0x85: {  	_ =	shalt  }
0x86: {  	_ =	shalt  }
0x87: {  	_ =	shalt  }
.Lfunc_end0:
.L_simem_size_0:
called_computation.1_lowered:
.L_overlay_start_0:
0x88: {  	s2 =	sld [smem:$0x3FD9]  }
0x89: {  	s3 =	sld [smem:$0x3FFE];
	_ =	sdelay $0x1  }
0x8a: {  	s1 =	srdreg.scid  }
0x8b: {  	s0 =	sand.u32 $0x1, s1  }
0x8c: {  	s16 =	sshll.u32 s0, $0xA;
	s2 =	sadd.s32 s3, s2  }
0x8d: {  	s2 =	sadd.s32 s2, s16  }
0x8e: {  	[smem:$0x3FC2] =	sst s2  }
0x8f: {  	_ = 	snop  }
0x90: {  	(tm) =	ssettm $0x1  }
0x91: {  	s17 =	sld [smem:$0x3FFB];
	_ =	sdelay $0x3  }
0x92: {  	_ =	strace s17  }
0x93: {  	s2 =	sld [smem:$0x3FFC];
	_ =	sdelay $0x3  }
0x94: {  	_ =	strace s2  }
0x95: {  	s2 =	sld [smem:$0x3FFD];
	_ =	sdelay $0x3  }
0x96: {  	_ =	strace s2  }
0x97: {  	_ =	strace $0x8FFFFFFF  }
0x98: {  	s18 =	sld [smem:$0x3FDB];
	_ =	sdelay $0x1  }
0x99: {  	s19 =	simm.s32 $_scs_section_size  }
0x9a: {  	s4 =	simm.s32 $_size__tile_overlayer_lowered;
	s5 =	simm.s32 $_tile_overlayer_lowered  }
0x9b: {  	s22 =	simm.s32 $0x1BFF;
	s21 =	sshll.u32 s5, $0x1;
	s2 =	sadd.s32 s19, s18  }
0x9c: {  	s6 =	simm.s32 $0x0;
	s20 =	sshll.u32 s4, $0x1;
	s4 =	sadd.s32 s21, s2  }
0x9d: {  	[timem:s6], [sflag:s22] =	dma.local [hbm:s4], s20  }
0x9e: {  	_ =	swait.ge [sflag:s22], s20  }
0x9f: {  	s3 =	ssub.s32 $0x0, s20;
	[sflag:s22] =	ssyncset.done $0x0  }
0xa0: {  	[sflag:s22] =	ssyncadd.s32 s3;
	_ =	sdelay $0x1  }
0xa1: {  	s23 =	simm.s32 $0x1B8B  }
0xa2: {  	_ =	swait.ge [sflag:s23], $0x1  }
0xa3: {  	[sflag:s23] =	ssyncset.done $0x0  }
0xa4: {  	s25 =	simm.s32 $0x1B8E;
	s24 =	sld [smem:$0x3FFE];
	[sflag:s23] =	ssyncadd.s32 $0xFFFFFFFF  }
0xa5: {  	s26 =	simm.s32 $execute0_lowered;
	[smem:$0x3FD2] =	sst s25  }
0xa6: {  	s4 =	sshll.u32 s26, $0x1;
	_ =	strace $0x80000049;
	[dreg:$0x1] =	wrdreg $0xFFFFFFFF  }
0xa7: {  	s28 =	simm.s32 $_size_execute0_lowered;
	s2 =	sadd.s32 s2, s4;
	[dreg:$0x0] =	wrdreg $0x0  }
0xa8: {  	s4 =	sshll.u32 s28, $0x1;
	[dreg:$0x2] =	wrdreg s2  }
0xa9: {  	[dreg:$0x3] =	wrdreg s4  }
0xaa: {  	[dreg:$0x4] =	wrdreg $0xC0  }
0xab: {  	_ =	task [dreg:s6], $0x5FFFF  }
0xac: {  	[dreg:$0x1] =	wrdreg $0xFFFFFFFF  }
0xad: {  	[dreg:$0x0] =	wrdreg $0x60  }
0xae: {  	[dreg:$0x2] =	wrdreg s24  }
0xaf: {  	[dreg:$0x3] =	wrdreg $0xB0000  }
0xb0: {  	[dreg:$0x4] =	wrdreg $0x9  }
0xb1: {  	_ =	task.clear_ibuf [dreg:s6], $0x5FFFF;
	_ =	strace $0x90000049  }
0xb2: {  	s29 =	simm.s32 $0x9;
	_ =	strace $0x8000004B  }
0xb3: {  	_ =	swait.ge [sflag:s29], $0x1  }
0xb4: {  	[sflag:s29] =	ssyncadd.s32 $0xFFFFFFFF  }
0xb5: {  	_ =	strace $0x9000004B  }
0xb6: {  	_ =	sfence  }
0xb7: {  	s30 =	sld [smem:$0x0];
	_ =	sdelay $0x2  }
0xb8: {  	s31 =	sshll.u32 s1, $0xD;
	s1 =	sshrl.u32 s1, $0x2  }
0xb9: {  	s3 =	sand.u32 $0x4000, s31;
	s1 =	sadd.s32 s1, s30  }
0xba: {  	s0 =	sor.u32 s3, s0;
	s1 =	sshll.u32 s1, $0x11  }
0xbb: {  	s0 =	sor.u32 s1, s0  }
0xbc: {  	s0 =	sadd.s32 $0x8F2B, s0  }
0xbd: {  	[sflag:s0] =	ssyncadd.remote.s32 $0x1  }
0xbe: {  	_ =	sfence.sel $0xFFFF  }
0xbf: {  	[dreg:$0x0] =	wrdreg $0xFFFFFFFF;
	(pc) =	sbr.abs _section_cstart, $3  }
0xc0: {  	[dreg:$0x1] =	wrdreg $0xFFFFFFFF  }
0xc1: {  	_ =	task.clear_ibuf [dreg:s6], $0x2FFFF;
	_ =	strace $0x9FFFFFFF  }
0xc2: {  	(tm) =	ssettm $0x7FFFFFFF  }
0xc3: {  	_ =	shalt  }
tec
execute0_lowered:
.L_overlay_start_1:
0x0: {  	(tag) =	ssettag $0x1  }
0x1: {  	s1 =	srdreg.scid;
	s8 =	rddreg [dreg:$0x0]  }
0x2: {  	s0 =	stileid.u32;
	s2 =	rddreg [dreg:$0x1];
	s4 =	simm.s32 $0x0  }
0x3: {  	s16 =	simm.s32 $0x7000;
	s17 =	simm.s32 $0x2800;
	s18 =	simm.s32 $0x1  }
0x4: {  	s19 =	simm.s32 $0x2;
	s20 =	simm.s32 $0x0;
	s7 =	sand.u32 $0x1, s1  }
0x5: {  	s26 =	sshll.u32 s0, $0x1;
	s9 =	smul.u32 $0x14000, s0;
	[smem:$0x7FF] =	sst s4  }
0x6: {  	s5 =	sadd.s32 $0x14C00, s8;
	s28 =	smul.u32 $0x50000, s0;
	s31 =	sshll.u32 s0, $0x6  }
0x7: {  	s1 =	sor.u32 s7, s26;
	s10 =	smul.u32 $0x140000, s7;
	s7 =	ssub.s32 $0x2, s7  }
0x8: {  	s3 =	smul.u32 $0x2800, s1;
	s1 =	rddreg [dreg:$0x2];
	_ =	strace $0x8000004A  }
0x9: {  	s12 =	sshrl.u32 s9, $0x3;
	s29 =	sshrl.u32 s7, $0x1;
	s30 =	sshrl.u32 s28, $0x2  }
0xa: {  	s9 =	sadd.s32 s9, s10;
	s12 =	sadd.s32 s12, s8;
	s14 =	ssub.s32 s7, s29  }
0xb: {  	s15 =	sadd.s32 s30, s2;
	s6 =	sshrl.u32 s3, $0x3;
	s9 =	sshrl.u32 s9, $0x3  }
0xc: {  	s7 =	sadd.s32 $0x3BE00, s12;
	s12 =	sshrl.u32 s15, $0x3;
	s15 =	simm.s32 $0x3000  }
0xd: {  	s11 =	sadd.s32 s6, s8;
	s6 =	sadd.s32 $0x200, s8;
	s13 =	sadd.s32 s9, s8  }
0xe: {  	s8 =	sor.u32 $0x1C03, s31;
	s9 =	sadd.s32 $0xAC00, s11;
	s10 =	sadd.s32 $0x63E00, s13  }
0xf: {  	s11 =	smax.u32 s14, $0x1;
	s13 =	simm.s32 $0x3;
	s14 =	simm.s32 $0x80  }
.LBB2_1:
0x10: {  	[spmem:s12], [sflag:s8] =	dma.local [hbm:s7], $0x2800  }
0x11: {  	_ =	swait.ge [sflag:s13], $0x2800  }
0x12: {  	[sflag:s13] =	ssyncset.done $0x0  }
0x13: {  	[sflag:s13] =	ssyncadd.s32 $0xFFFFD800  }
0x14: {  	[tilespmem:s4], [sflag:$0x3] =	stream.linear.gather [hbm4b:s9+s4], $0x2800, $0x38;
	[tilespmem:$0x1F000] =	vst v63  }
0x15: {  	_ =	swait.ge [sflag:s13], $0x2800  }
0x16: {  	[sflag:s13] =	ssyncset.done $0x0  }
0x17: {  	[sflag:s13] =	ssyncadd.s32 $0xFFFFD800  }
0x18: {  	[bflag:$0x0] =	sbarrier.arrive $0xFFFF  }
0x19: {  	[tilespmem:s15], [sflag:$0x1] =	stream.indirect.gather [hbm4b:s5+s14], $0x80, s4, s14, $0xb8;
	[tilespmem:$0x1F000] =	vst v63  }
0x1a: {  	s21 =	simm.s32 $0x0;
	s22 =	simm.s32 $0x0;
	s23 =	simm.s32 $0x0  }
0x1b: {  	[tilespmem:s16], [sflag:$0x2] =	stream.indirect.gather [hbm4b:s5+s14], $0x80, s14, s14, $0xb8;
	[tilespmem:$0x1F000] =	vst v63  }
.LBB2_2:
0x1c: {  	s24 =	sshll.u32 s23, $0xB  }
0x1d: {  	s24 =	sadd.s32 s3, s24  }
0x1e: {  	s24 =	sshrl.u32 s24, $0x3  }
0x1f: {  	s25 =	simm.s32 $0x0;
	s24 =	sadd.s32 s6, s24  }
0x20: {  	[tilespmem:s17], [sflag:$0x3] =	stream.linear.gather [hbm4b:s24+s25], $0x800, $0x38;
	[tilespmem:$0x1F000] =	vst v63  }
0x21: {  	_ =	swait.ge [sflag:s13], $0x800  }
0x22: {  	[sflag:s13] =	ssyncset.done $0x0  }
0x23: {  	[sflag:s13] =	ssyncadd.s32 $0xFFFFF800  }
0x24: {  	_ =	swait.ge [sflag:s18], $0x4000  }
0x25: {  	[sflag:s18] =	ssyncset.done $0x0  }
0x26: {  	s26 =	simm.s32 $0x2800;
	[sflag:s18] =	ssyncadd.s32 $0xFFFFC000  }
0x27: {  	[spmem:s2] =	stream.indirect.scatter.add.f32 [tilespmem:s15], [sflag:$0x3], $0x80, s26, s14, $0xb8;
	[tilespmem:$0x1F000] =	vst v63  }
0x28: {  	p0 =	sgt.u32 s21, $0x4D;
	_ =	swait.ge [sflag:s13], $0x4000  }
0x29: {  	s24 =	sadd.s32 @!p0 $0x0, s22;
	s25 =	simm.s32 @!p0 $0x3000;
	[sflag:s13] =	ssyncset.done $0x0  }
0x2a: {  	s24 =	sadd.s32 @!p0 $0x100, s24;
	s26 =	simm.s32 @!p0 $0x80;
	[sflag:s13] =	ssyncadd.s32 $0xFFFFC000  }
0x2b: {  	[tilespmem:s25], [sflag:$0x1] =	stream.indirect.gather @!p0 [hbm4b:s5+s26], $0x80, s24, s26, $0xb8;
	[tilespmem:$0x1F000] =	vst v63  }
0x2c: {  	_ =	swait.ge [sflag:s19], $0x4000  }
0x2d: {  	s30 =	sadd.s32 $0x1, s21;
	[sflag:s19] =	ssyncset.done $0x0  }
0x2e: {  	s31 =	simm.s32 $0x2880;
	p1 =	sgt.u32 s30, $0x4D;
	[sflag:s19] =	ssyncadd.s32 $0xFFFFC000  }
0x2f: {  	[spmem:s2] =	stream.indirect.scatter.add.f32 [tilespmem:s16], [sflag:$0x3], $0x80, s31, s14, $0xb8;
	[tilespmem:$0x1F000] =	vst v63  }
0x30: {  	s29 =	sadd.s32 @!p1 $0x0, s22;
	_ =	swait.ge [sflag:s13], $0x4000  }
0x31: {  	s28 =	simm.s32 @!p1 $0x7000;
	s24 =	simm.s32 $0x400;
	[sflag:s13] =	ssyncset.done $0x0  }
0x32: {  	s26 =	simm.s32 @!p1 $0x80;
	s25 =	smov.u32 s21;
	[sflag:s13] =	ssyncadd.s32 $0xFFFFC000  }
.LBB2_3:
0x33: {  	s29 =	sadd.s32 @!p1 $0x180, s29  }
0x34: {  	s25 =	sadd.s32 $0x2, s25;
	s30 =	smov.u32 s24;
	s24 =	sadd.s32 $0x400, s24  }
0x35: {  	[tilespmem:s28], [sflag:$0x2] =	stream.indirect.gather @!p1 [hbm4b:s5+s26], $0x80, s29, s26, $0xb8;
	[tilespmem:$0x1F000] =	vst v63  }
0x36: {  	p0 =	sne.s32 s24, $0x2000;
	_ =	swait.ge [sflag:s18], $0x4000  }
0x37: {  	s26 =	sshra.s32 s30, $0x2;
	[sflag:s18] =	ssyncset.done $0x0  }
0x38: {  	p1 =	sgt.u32 s25, $0x4D;
	s28 =	sadd.s32 $0x2800, s26;
	[sflag:s18] =	ssyncadd.s32 $0xFFFFC000  }
0x39: {  	[spmem:s2] =	stream.indirect.scatter.add.f32 [tilespmem:s15], [sflag:$0x3], $0x80, s28, s14, $0xb8;
	[tilespmem:$0x1F000] =	vst v63  }
0x3a: {  	s28 =	sshra.s32 @!p1 s30, $0x2;
	_ =	swait.ge [sflag:s13], $0x4000  }
0x3b: {  	s29 =	simm.s32 @!p1 $0x3000;
	s28 =	sadd.s32 @!p1 s28, s22;
	[sflag:s13] =	ssyncset.done $0x0  }
0x3c: {  	s31 =	simm.s32 @!p1 $0x80;
	s28 =	sadd.s32 @!p1 $0x100, s28;
	[sflag:s13] =	ssyncadd.s32 $0xFFFFC000  }
0x3d: {  	[tilespmem:s29], [sflag:$0x1] =	stream.indirect.gather @!p1 [hbm4b:s5+s31], $0x80, s28, s31, $0xb8;
	[tilespmem:$0x1F000] =	vst v63  }
0x3e: {  	_ =	swait.ge [sflag:s19], $0x4000  }
0x3f: {  	s26 =	sadd.s32 $0x2880, s26;
	[sflag:s19] =	ssyncset.done $0x0  }
.Ltmp0:
0x40: {  	s28 =	sadd.s32 $0x1, s25;
	[sflag:s19] =	ssyncadd.s32 $0xFFFFC000;
	(pc) =	sbr.rel @p0 .LBB2_3-.Ltmp0, $4  }
0x41: {  	[spmem:s2] =	stream.indirect.scatter.add.f32 [tilespmem:s16], [sflag:$0x3], $0x80, s26, s14, $0xb8;
	[tilespmem:$0x1F000] =	vst v63  }
0x42: {  	p1 =	sgt.u32 s28, $0x4D;
	_ =	swait.ge [sflag:s13], $0x4000  }
0x43: {  	s28 =	sshra.s32 @!p1 s30, $0x2;
	s26 =	simm.s32 @!p1 $0x80;
	[sflag:s13] =	ssyncset.done $0x0  }
0x44: {  	s29 =	sadd.s32 @!p1 s28, s22;
	s28 =	simm.s32 @!p1 $0x7000;
	[sflag:s13] =	ssyncadd.s32 $0xFFFFC000  }
0x45: {  	s23 =	sadd.s32 $0x1, s23  }
0x46: {  	p0 =	sne.s32 s23, $0x5  }
.Ltmp1:
0x47: {  	_ = 	snop;
	(pc) =	sbr.rel @p0 .LBB2_2-.Ltmp1, $3  }
0x48: {  	_ =	sdelay $0x1  }
0x49: {  	s24 =	sadd.s32 @!p1 $0x180, s29;
	s22 =	sadd.s32 $0x800, s22;
	s21 =	sadd.s32 $0x10, s21  }
0x4a: {  	[tilespmem:s28], [sflag:$0x2] =	stream.indirect.gather @!p1 [hbm4b:s5+s26], $0x80, s24, s26, $0xb8;
	[tilespmem:$0x1F000] =	vst v63  }
0x4b: {  	s20 =	sadd.s32 $0x1, s20  }
0x4c: {  	p0 =	sne.s32 s20, s11  }
.Ltmp2:
0x4d: {  	[bflag:$0x0] =	sbarrier.arrive $0xFFFF;
	(pc) =	sbr.rel @p0 .LBB2_1-.Ltmp2, $4  }
0x4e: {  	[hbm:s10], [sflag:s8] =	dma.local [spmem:s12], $0x2800  }
0x4f: {  	_ =	swait.ge [sflag:s13], $0x2800  }
0x50: {  	[sflag:s13] =	ssyncset.done $0x0  }
0x51: {  	[sflag:s13] =	ssyncadd.s32 $0xFFFFD800  }
0x52: {  	_ =	sfence.sel $0x180000  }
0x53: {  	[bflag:$0x0] =	sbarrier.arrive $0xFFFF  }
0x54: {  	p0 =	sne.s32 s0, $0x0;
	_ =	strace $0x9000004A  }
0x55: {  	s0 =	sadd.s32 @!p0 $0x100000, s1;
	[bflag:$0x2] =	sbarrier.arrive $0xFFFF  }
0x56: {  	[sflag:s0] =	ssyncadd.tile.s32 @!p0 $0x1;
	_ =	shalt  }
.Lfunc_end2:
_tile_overlayer_lowered:
.L_overlay_start_2:
0x57: {  	(tag) =	ssettag $0x2  }
0x58: {  	s0 =	rddreg [dreg:$0x0];
	s2 =	stileid.u32  }
0x59: {  	s1 =	rddreg [dreg:$0x1];
	p0 =	sne.s32 s2, $0x0  }
0x5a: {  	s3 =	rddreg [dreg:$0x2];
	[bflag:$0x3] =	sbarrier.arrive $0xFFFF;
	s2 =	simm.s32 @!p0 $0x1C03  }
0x5b: {  	[timem:s3], [sflag:s2] =	dma.local @!p0 [hbm:s0], s1  }
0x5c: {  	s0 =	simm.s32 @!p0 $0x3  }
0x5d: {  	_ =	swait.ge @!p0 [sflag:s0], s1  }
0x5e: {  	s1 =	ssub.s32 @!p0 $0x0, s1;
	[sflag:s0] =	ssyncset.done @!p0 $0x0  }
0x5f: {  	[sflag:s0] =	ssyncadd.s32 @!p0 s1  }
0x60: {  	[bflag:$0x3] =	sbarrier.arrive $0xFFFF  }
0x61: {  	_ =	shalt  }

// kernel: kernel.14.cloned.1.call-start
scs
__scs_entry_jumppad:
0x0: {  	(pc) =	sbr.rel $0x88, $3  }
0x1: {  	(tag) =	ssettag $0x0;
	lr =	simm.s32 $0x1  }
0x2: {  	[smem:$0x3F9B] =	sst lr;
	_ =	strace $0xD0000000  }
0x3: {  	_ = 	snop  }
0x4: {  	_ = 	snop  }
0x5: {  	_ = 	snop  }
0x6: {  	_ = 	snop  }
0x7: {  	_ = 	snop  }
__scs_overlays_trampoline_lowered:
0x8: {  	[smem:$0x3FAA] =	sst s0  }
0x9: {  	[smem:$0x3FAB] =	sst s1  }
0xa: {  	[smem:$0x3FAC] =	sst s2  }
0xb: {  	[smem:$0x3FAD] =	sst s3  }
0xc: {  	[smem:$0x3FAE] =	sst s4  }
0xd: {  	[smem:$0x3FAF] =	sst s5  }
0xe: {  	[smem:$0x3FB0] =	sst s6  }
0xf: {  	[smem:$0x3FB1] =	sst s7  }
0x10: {  	[smem:$0x3FB2] =	sst s8  }
0x11: {  	[smem:$0x3FB3] =	sst s9;
	s0 =	simm.s32 @!p0 $0x0  }
0x12: {  	s1 =	sld [smem:$0x3F99];
	s0 =	simm.s32 @p0 $0x1  }
0x13: {  	[smem:$0x3FB4] =	sst s0;
	s0 =	simm.s32 @!p1 $0x0  }
0x14: {  	s2 =	sld [smem:$0x3F98];
	s0 =	simm.s32 @p1 $0x1  }
0x15: {  	[smem:$0x3FB5] =	sst s0;
	s0 =	simm.s32 @!p2 $0x0  }
0x16: {  	s3 =	sld [smem:$0x3FDB];
	s0 =	simm.s32 @p2 $0x1  }
0x17: {  	s4 =	simm.s32 $0x1BF5;
	[smem:$0x3FB7] =	sst s0  }
0x18: {  	s0 =	sld [smem:$0x3F9A];
	_ =	swait.ge [sflag:s4], $0x0  }
0x19: {  	s7 =	sld [smem:$0x3F9B]  }
0x1a: {  	s8 =	sadd.s32 $0xFFFFE003, lr  }
0x1b: {  	s9 =	sadd.s32 $0xFFFFFEF7, lr;
	s5 =	simm.s32 $0xFFFFFFFF;
	p2 =	slt.u32 s8, $0xFFFFF086  }
0x1c: {  	p1 =	slt.u32 s9, $0xF7A;
	s5 =	simm.s32 @!p2 $0x0  }
0x1d: {  	s5 =	simm.s32 @p1 $0x1;
	p0 =	seq.s32 s7, s2  }
0x1e: {  	s7 =	smul.u32 @!p0 $0xF7A, s2;
	p2 =	seq.s32 @!p0 s5, $0x0  }
0x1f: {  	s9 =	smul.u32 $0xF7A, s1;
	s8 =	simm.s32 @!p0 $0x1BF5;
	p2 =	por !p2, p0  }
0x20: {  	[sflag:s8] =	ssyncset.s32 @!p0 $0xFFFFF086;
	s6 =	sadd.s32 @!p0 s3, s7;
	s7 =	simm.s32 @!p0 $0x108  }
0x21: {  	s3 =	sadd.s32 s3, s9;
	s6 =	sadd.s32 @!p0 $0x88, s6;
	s7 =	simm.s32 @p2 $0x1082  }
0x22: {  	[simem:s7], [sflag:s8] =	dma.local @!p0 [hbm:s6], $0xF7A  }
0x23: {  	s9 =	sor.u32 $0xD0000000, s2;
	s6 =	simm.s32 $0x108;
	_ =	swait.ge @!p0 [sflag:s8], $0x0  }
0x24: {  	s3 =	sadd.s32 $0x88, s3;
	s6 =	simm.s32 @!p1 $0x1082;
	[sflag:s4] =	ssyncset.s32 $0xFFFFF086  }
0x25: {  	[simem:s6], [sflag:s4] =	dma.local [hbm:s3], $0xF7A  }
0x26: {  	[smem:$0x3F9B] =	sst s1;
	(tag) =	ssettag s2;
	_ =	strace s9  }
0x27: {  	s1 =	sld [smem:$0x3FAB]  }
0x28: {  	s2 =	sld [smem:$0x3FAC]  }
0x29: {  	s4 =	sld [smem:$0x3FAE]  }
0x2a: {  	p0 =	seq.s32 s5, $0x0;
	s5 =	sld [smem:$0x3FAF]  }
0x2b: {  	s6 =	sld [smem:$0x3FB0]  }
0x2c: {  	s7 =	sld [smem:$0x3FB1]  }
0x2d: {  	s3 =	simm.s32 $0x108;
	s8 =	sld [smem:$0x3FB2]  }
0x2e: {  	s3 =	simm.s32 @!p0 $0x1082;
	s9 =	sld [smem:$0x3FB3]  }
0x2f: {  	lr =	sadd.s32 s0, s3;
	s0 =	sld [smem:$0x3FAA]  }
0x30: {  	s3 =	sld [smem:$0x3FAD]  }
0x31: {  	[smem:$0x3FB6] =	sst s10  }
0x32: {  	s10 =	sld [smem:$0x3FB4];
	_ =	sdelay $0x3  }
0x33: {  	p0 =	seq.s32 s10, $0x1;
	s10 =	sld [smem:$0x3FB6];
	_ =	sdelay $0x3  }
0x34: {  	[smem:$0x3FB6] =	sst s10  }
0x35: {  	s10 =	sld [smem:$0x3FB5];
	_ =	sdelay $0x3  }
0x36: {  	p1 =	seq.s32 s10, $0x1;
	s10 =	sld [smem:$0x3FB6];
	_ =	sdelay $0x3  }
0x37: {  	[smem:$0x3FB6] =	sst s10  }
0x38: {  	s10 =	sld [smem:$0x3FB7]  }
0x39: {  	_ = 	snop;
	(pc) =	sbr.ind lr, $3  }
0x3a: {  	_ = 	snop  }
0x3b: {  	_ = 	snop  }
0x3c: {  	p2 =	seq.s32 s10, $0x1;
	s10 =	sld [smem:$0x3FB6]  }
0x3d: {  	_ =	shalt  }
0x3e: {  	_ =	shalt  }
0x3f: {  	_ =	shalt  }
0x40: {  	_ =	shalt  }
0x41: {  	_ =	shalt  }
0x42: {  	_ =	shalt  }
0x43: {  	_ =	shalt  }
0x44: {  	_ =	shalt  }
0x45: {  	_ =	shalt  }
0x46: {  	_ =	shalt  }
0x47: {  	_ =	shalt  }
0x48: {  	_ =	shalt  }
0x49: {  	_ =	shalt  }
0x4a: {  	_ =	shalt  }
0x4b: {  	_ =	shalt  }
0x4c: {  	_ =	shalt  }
0x4d: {  	_ =	shalt  }
0x4e: {  	_ =	shalt  }
0x4f: {  	_ =	shalt  }
0x50: {  	_ =	shalt  }
0x51: {  	_ =	shalt  }
0x52: {  	_ =	shalt  }
0x53: {  	_ =	shalt  }
0x54: {  	_ =	shalt  }
0x55: {  	_ =	shalt  }
0x56: {  	_ =	shalt  }
0x57: {  	_ =	shalt  }
0x58: {  	_ =	shalt  }
0x59: {  	_ =	shalt  }
0x5a: {  	_ =	shalt  }
0x5b: {  	_ =	shalt  }
0x5c: {  	_ =	shalt  }
0x5d: {  	_ =	shalt  }
0x5e: {  	_ =	shalt  }
0x5f: {  	_ =	shalt  }
0x60: {  	_ =	shalt  }
0x61: {  	_ =	shalt  }
0x62: {  	_ =	shalt  }
0x63: {  	_ =	shalt  }
0x64: {  	_ =	shalt  }
0x65: {  	_ =	shalt  }
0x66: {  	_ =	shalt  }
0x67: {  	_ =	shalt  }
0x68: {  	_ =	shalt  }
0x69: {  	_ =	shalt  }
0x6a: {  	_ =	shalt  }
0x6b: {  	_ =	shalt  }
0x6c: {  	_ =	shalt  }
0x6d: {  	_ =	shalt  }
0x6e: {  	_ =	shalt  }
0x6f: {  	_ =	shalt  }
0x70: {  	_ =	shalt  }
0x71: {  	_ =	shalt  }
0x72: {  	_ =	shalt  }
0x73: {  	_ =	shalt  }
0x74: {  	_ =	shalt  }
0x75: {  	_ =	shalt  }
0x76: {  	_ =	shalt  }
0x77: {  	_ =	shalt  }
0x78: {  	_ =	shalt  }
0x79: {  	_ =	shalt  }
0x7a: {  	_ =	shalt  }
0x7b: {  	_ =	shalt  }
0x7c: {  	_ =	shalt  }
0x7d: {  	_ =	shalt  }
0x7e: {  	_ =	shalt  }
0x7f: {  	_ =	shalt  }
0x80: {  	_ =	shalt  }
0x81: {  	_ =	shalt  }
0x82: {  	_ =	shalt  }
0x83: {  	_ =	shalt  }
0x84: {  	_ =	shalt  }
0x85: {  	_ =	shalt  }
0x86: {  	_ =	shalt  }
0x87: {  	_ =	shalt  }
.Lfunc_end0:
.L_simem_size_0:
called_computation.2_lowered:
.L_overlay_start_0:
0x88: {  	s2 =	sld [smem:$0x3FD9]  }
0x89: {  	s3 =	sld [smem:$0x3FFE];
	_ =	sdelay $0x1  }
0x8a: {  	s1 =	srdreg.scid  }
0x8b: {  	s0 =	sand.u32 $0x1, s1  }
0x8c: {  	s17 =	sshll.u32 s0, $0xA;
	s2 =	sadd.s32 s3, s2  }
0x8d: {  	s2 =	sadd.s32 s2, s17  }
0x8e: {  	[smem:$0x3FC2] =	sst s2  }
0x8f: {  	_ = 	snop  }
0x90: {  	s2 =	sld [smem:$0x3FD0];
	(tm) =	ssettm $0x1  }
0x91: {  	s18 =	sld [smem:$0x3FFB];
	_ =	sdelay $0x3  }
0x92: {  	_ =	strace s18  }
0x93: {  	s3 =	sld [smem:$0x3FFC];
	_ =	sdelay $0x3  }
0x94: {  	_ =	strace s3  }
0x95: {  	s3 =	sld [smem:$0x3FFD];
	_ =	sdelay $0x3  }
0x96: {  	_ =	strace s3  }
0x97: {  	_ =	strace $0x8FFFFFFF  }
0x98: {  	s19 =	sld [smem:$0x3FDB];
	_ =	sdelay $0x1  }
0x99: {  	s4 =	simm.s32 $_scs_section_size  }
0x9a: {  	s5 =	simm.s32 $_size__tile_overlayer_lowered;
	s6 =	simm.s32 $_tile_overlayer_lowered  }
0x9b: {  	s22 =	simm.s32 $0x1BFF;
	s21 =	sshll.u32 s6, $0x1;
	s3 =	sadd.s32 s4, s19  }
0x9c: {  	s7 =	simm.s32 $0x0;
	s20 =	sshll.u32 s5, $0x1;
	s5 =	sadd.s32 s21, s3  }
0x9d: {  	[timem:s7], [sflag:s22] =	dma.local [hbm:s5], s20  }
0x9e: {  	_ =	swait.ge [sflag:s22], s20  }
0x9f: {  	s4 =	ssub.s32 $0x0, s20;
	[sflag:s22] =	ssyncset.done $0x0  }
0xa0: {  	[sflag:s22] =	ssyncadd.s32 s4;
	_ =	sdelay $0x1  }
0xa1: {  	s23 =	simm.s32 $0x1B8B  }
0xa2: {  	_ =	swait.ge [sflag:s23], $0x1  }
0xa3: {  	[sflag:s23] =	ssyncset.done $0x0  }
0xa4: {  	s25 =	simm.s32 $0x1B8E;
	s24 =	sld [smem:$0x3FFE];
	[sflag:s23] =	ssyncadd.s32 $0xFFFFFFFF  }
0xa5: {  	s26 =	simm.s32 $execute0_lowered;
	[smem:$0x3FD2] =	sst s25  }
0xa6: {  	s5 =	sshll.u32 s26, $0x1;
	_ =	strace $0x8000004C;
	[dreg:$0x1] =	wrdreg $0xFFFFFFFF  }
0xa7: {  	s28 =	simm.s32 $_size_execute0_lowered;
	s3 =	sadd.s32 s3, s5;
	[dreg:$0x0] =	wrdreg $0x0  }
0xa8: {  	s5 =	sshll.u32 s28, $0x1;
	[dreg:$0x2] =	wrdreg s3  }
0xa9: {  	[dreg:$0x3] =	wrdreg s5  }
0xaa: {  	[dreg:$0x4] =	wrdreg $0xC0  }
0xab: {  	_ =	task [dreg:s7], $0x5FFFF  }
0xac: {  	[dreg:$0x1] =	wrdreg $0xFFFFFFFF  }
0xad: {  	[dreg:$0x0] =	wrdreg $0x60  }
0xae: {  	[dreg:$0x2] =	wrdreg s24  }
0xaf: {  	[dreg:$0x3] =	wrdreg s2  }
0xb0: {  	[dreg:$0x4] =	wrdreg $0x52000  }
0xb1: {  	[dreg:$0x5] =	wrdreg $0x9  }
0xb2: {  	_ =	task.clear_ibuf [dreg:s7], $0x6FFFF;
	_ =	strace $0x9000004C  }
0xb3: {  	s29 =	simm.s32 $0x9;
	_ =	strace $0x8000004E  }
0xb4: {  	_ =	swait.ge [sflag:s29], $0x1  }
0xb5: {  	[sflag:s29] =	ssyncadd.s32 $0xFFFFFFFF  }
0xb6: {  	_ =	strace $0x9000004E  }
0xb7: {  	_ =	sfence  }
0xb8: {  	s30 =	sld [smem:$0x0];
	_ =	sdelay $0x2  }
0xb9: {  	s31 =	sshll.u32 s1, $0xD;
	s1 =	sshrl.u32 s1, $0x2  }
0xba: {  	s3 =	sand.u32 $0x4000, s31;
	s1 =	sadd.s32 s1, s30  }
0xbb: {  	s0 =	sor.u32 s3, s0;
	s1 =	sshll.u32 s1, $0x11  }
0xbc: {  	s0 =	sor.u32 s1, s0  }
0xbd: {  	s0 =	sadd.s32 $0x8F2B, s0  }
0xbe: {  	[sflag:s0] =	ssyncadd.remote.s32 $0x1  }
0xbf: {  	_ =	sfence.sel $0xFFFF  }
0xc0: {  	[dreg:$0x0] =	wrdreg $0xFFFFFFFF;
	(pc) =	sbr.abs _section_cstart, $3  }
0xc1: {  	[dreg:$0x1] =	wrdreg $0xFFFFFFFF  }
0xc2: {  	_ =	task.clear_ibuf [dreg:s7], $0x2FFFF;
	_ =	strace $0x9FFFFFFF  }
0xc3: {  	(tm) =	ssettm $0x7FFFFFFF  }
tec
execute0_lowered:
.L_overlay_start_1:
0x0: {  	(tag) =	ssettag $0x1  }
0x1: {  	s0 =	rddreg [dreg:$0x0]  }
0x2: {  	s2 =	rddreg [dreg:$0x1]  }
0x3: {  	s1 =	rddreg [dreg:$0x2]  }
0x4: {  	s3 =	simm.s32 $0x0;
	s4 =	srdreg.scid;
	s13 =	stileid.u32  }
0x5: {  	s14 =	simm.s32 $0x80;
	s15 =	simm.s32 $0x5000;
	s16 =	simm.s32 $0x5080  }
0x6: {  	s18 =	simm.s32 $0x5100;
	s19 =	simm.s32 $0x180;
	s20 =	simm.s32 $0x5180  }
0x7: {  	s21 =	simm.s32 $0x1;
	s22 =	simm.s32 $0x2;
	s23 =	simm.s32 $0x3  }
0x8: {  	s28 =	simm.s32 $0x4F00;
	s29 =	simm.s32 $0x4F80;
	s30 =	simm.s32 $0x20  }
0x9: {  	s31 =	simm.s32 $0x10;
	[smem:$0x7FF] =	sst s3;
	s5 =	sand.u32 $0x1, s4  }
0xa: {  	s6 =	sshll.u32 s13, $0x1;
	s7 =	smul.u32 $0x500, s13;
	s4 =	sadd.s32 $0xA200, s0  }
0xb: {  	s9 =	smul.u32 $0x280, s13;
	s26 =	sshll.u32 s13, $0x6;
	_ =	strace $0x8000004D  }
0xc: {  	s6 =	sor.u32 s5, s6;
	s8 =	sshll.u32 s5, $0x7;
	s5 =	ssub.s32 $0x2, s5  }
0xd: {  	s6 =	smul.u32 $0x500, s6;
	s7 =	sor.u32 s8, s7;
	s24 =	sshrl.u32 s5, $0x1  }
0xe: {  	s12 =	sadd.s32 s9, s1;
	s25 =	sshrl.u32 s9, $0x3;
	s7 =	sshrl.u32 s7, $0x3  }
0xf: {  	s11 =	ssub.s32 s5, s24;
	s5 =	sadd.s32 s2, s25;
	s24 =	simm.s32 $0x4  }
0x10: {  	s25 =	simm.s32 $0x4E00;
	s10 =	sadd.s32 s6, s0;
	s0 =	sadd.s32 s7, s0  }
0x11: {  	s6 =	sor.u32 $0x1C05, s26;
	s26 =	simm.s32 $0x4E80;
	s7 =	sadd.s32 $0xAC00, s10  }
0x12: {  	s8 =	sadd.s32 $0x200, s10;
	s9 =	sadd.s32 $0x14C00, s0;
	s10 =	smax.u32 s11, $0x1  }
0x13: {  	s11 =	sshrl.u32 s12, $0x3;
	s12 =	simm.s32 $0x5;
	s0 =	simm.s32 $0x0  }
.LBB2_1:
0x14: {  	[spmem:s11], [sflag:s6] =	dma.local [hbm:s5], $0x50  }
0x15: {  	_ =	swait.ge [sflag:s12], $0x50  }
0x16: {  	[sflag:s12] =	ssyncset.done $0x0  }
0x17: {  	[sflag:s12] =	ssyncadd.s32 $0xFFFFFFB0  }
0x18: {  	[tilespmem:s3], [sflag:$0x5] =	stream.linear.gather [hbm4b:s7+s3], $0x2800, $0x38;
	[tilespmem:$0x5480] =	vst v63  }
0x19: {  	_ =	swait.ge [sflag:s12], $0x2800  }
0x1a: {  	[sflag:s12] =	ssyncset.done $0x0  }
0x1b: {  	s2 =	simm.s32 $0x2800;
	[sflag:s12] =	ssyncadd.s32 $0xFFFFD800  }
0x1c: {  	[tilespmem:s2], [sflag:$0x5] =	stream.linear.gather [hbm4b:s8+s3], $0x2800, $0x38;
	[tilespmem:$0x5480] =	vst v63  }
0x1d: {  	_ =	swait.ge [sflag:s12], $0x2800  }
0x1e: {  	[sflag:s12] =	ssyncset.done $0x0  }
0x1f: {  	[sflag:s12] =	ssyncadd.s32 $0xFFFFD800  }
0x20: {  	[bflag:$0x0] =	sbarrier.arrive $0xFFFF  }
0x21: {  	[tilespmem:s15], [sflag:$0x1] =	stream.indirect.gather [hbm4b:s4+s14], $0x1, s3, s14, $0xb8;
	[tilespmem:$0x5480] =	vst v63  }
0x22: {  	_ = 	snop  }
0x23: {  	[tilespmem:s16], [sflag:$0x2] =	stream.indirect.gather [hbm4b:s4+s14], $0x1, s14, s14, $0xb8;
	[tilespmem:$0x5480] =	vst v63  }
0x24: {  	s13 =	simm.s32 $0x100  }
0x25: {  	[tilespmem:s18], [sflag:$0x3] =	stream.indirect.gather [hbm4b:s4+s14], $0x1, s13, s14, $0xb8;
	[tilespmem:$0x5480] =	vst v63  }
0x26: {  	_ = 	snop  }
0x27: {  	[tilespmem:s20], [sflag:$0x4] =	stream.indirect.gather [hbm4b:s4+s14], $0x1, s19, s14, $0xb8;
	[tilespmem:$0x5480] =	vst v63  }
0x28: {  	_ =	swait.ge [sflag:s21], $0x80  }
0x29: {  	[sflag:s21] =	ssyncset.done $0x0  }
0x2a: {  	s17 =	simm.s32 $0x2800;
	[sflag:s21] =	ssyncadd.s32 $0xFFFFFF80  }
0x2b: {  	[spmem:s1] =	stream.indirect.scatter.add.f32 [tilespmem:s15], [sflag:$0x5], $0x1, s17, s14, $0xb8;
	[tilespmem:$0x5480] =	vst v63  }
0x2c: {  	_ =	swait.ge [sflag:s12], $0x80  }
0x2d: {  	[sflag:s12] =	ssyncset.done $0x0  }
0x2e: {  	s13 =	simm.s32 $0x200;
	[sflag:s12] =	ssyncadd.s32 $0xFFFFFF80  }
0x2f: {  	[tilespmem:s15], [sflag:$0x1] =	stream.indirect.gather [hbm4b:s4+s14], $0x1, s13, s14, $0xb8;
	[tilespmem:$0x5480] =	vst v63  }
0x30: {  	_ =	swait.ge [sflag:s22], $0x80  }
0x31: {  	[sflag:s22] =	ssyncset.done $0x0  }
0x32: {  	s17 =	simm.s32 $0x2880;
	[sflag:s22] =	ssyncadd.s32 $0xFFFFFF80  }
0x33: {  	[spmem:s1] =	stream.indirect.scatter.add.f32 [tilespmem:s16], [sflag:$0x5], $0x1, s17, s14, $0xb8;
	[tilespmem:$0x5480] =	vst v63  }
0x34: {  	_ =	swait.ge [sflag:s12], $0x80  }
0x35: {  	[sflag:s12] =	ssyncset.done $0x0  }
0x36: {  	s13 =	simm.s32 $0x280;
	[sflag:s12] =	ssyncadd.s32 $0xFFFFFF80  }
0x37: {  	[tilespmem:s16], [sflag:$0x2] =	stream.indirect.gather [hbm4b:s4+s14], $0x1, s13, s14, $0xb8;
	[tilespmem:$0x5480] =	vst v63  }
0x38: {  	_ =	swait.ge [sflag:s23], $0x80  }
0x39: {  	[sflag:s23] =	ssyncset.done $0x0  }
0x3a: {  	s17 =	simm.s32 $0x2900;
	[sflag:s23] =	ssyncadd.s32 $0xFFFFFF80  }
0x3b: {  	[spmem:s1] =	stream.indirect.scatter.add.f32 [tilespmem:s18], [sflag:$0x5], $0x1, s17, s14, $0xb8;
	[tilespmem:$0x5480] =	vst v63  }
0x3c: {  	_ =	swait.ge [sflag:s12], $0x80  }
0x3d: {  	[sflag:s12] =	ssyncset.done $0x0  }
0x3e: {  	s13 =	simm.s32 $0x300;
	[sflag:s12] =	ssyncadd.s32 $0xFFFFFF80  }
0x3f: {  	[tilespmem:s18], [sflag:$0x3] =	stream.indirect.gather [hbm4b:s4+s14], $0x1, s13, s14, $0xb8;
	[tilespmem:$0x5480] =	vst v63  }
0x40: {  	_ =	swait.ge [sflag:s24], $0x80  }
0x41: {  	[sflag:s24] =	ssyncset.done $0x0  }
0x42: {  	s17 =	simm.s32 $0x2980;
	[sflag:s24] =	ssyncadd.s32 $0xFFFFFF80  }
0x43: {  	[spmem:s1] =	stream.indirect.scatter.add.f32 [tilespmem:s20], [sflag:$0x5], $0x1, s17, s14, $0xb8;
	[tilespmem:$0x5480] =	vst v63  }
0x44: {  	_ =	swait.ge [sflag:s12], $0x80  }
0x45: {  	[sflag:s12] =	ssyncset.done $0x0  }
0x46: {  	s2 =	simm.s32 $0x800;
	s13 =	simm.s32 $0x380;
	[sflag:s12] =	ssyncadd.s32 $0xFFFFFF80  }
.LBB2_2:
0x47: {  	[tilespmem:s20], [sflag:$0x4] =	stream.indirect.gather [hbm4b:s4+s14], $0x1, s13, s14, $0xb8;
	[tilespmem:$0x5480] =	vst v63  }
0x48: {  	s13 =	smov.u32 s2  }
0x49: {  	p0 =	sne.s32 s2, $0x9000;
	s2 =	sadd.s32 $0x800, s2;
	_ =	swait.ge [sflag:s21], $0x80  }
0x4a: {  	s13 =	sshra.s32 s13, $0x2;
	[sflag:s21] =	ssyncset.done $0x0  }
0x4b: {  	s17 =	sadd.s32 $0x2800, s13;
	[sflag:s21] =	ssyncadd.s32 $0xFFFFFF80  }
0x4c: {  	[spmem:s1] =	stream.indirect.scatter.add.f32 [tilespmem:s15], [sflag:$0x5], $0x1, s17, s14, $0xb8;
	[tilespmem:$0x5480] =	vst v63  }
0x4d: {  	_ =	swait.ge [sflag:s12], $0x80  }
0x4e: {  	[sflag:s12] =	ssyncset.done $0x0  }
0x4f: {  	s17 =	sadd.s32 $0x200, s13;
	[sflag:s12] =	ssyncadd.s32 $0xFFFFFF80  }
0x50: {  	[tilespmem:s15], [sflag:$0x1] =	stream.indirect.gather [hbm4b:s4+s14], $0x1, s17, s14, $0xb8;
	[tilespmem:$0x5480] =	vst v63  }
0x51: {  	_ =	swait.ge [sflag:s22], $0x80  }
0x52: {  	[sflag:s22] =	ssyncset.done $0x0  }
0x53: {  	s17 =	sadd.s32 $0x2880, s13;
	[sflag:s22] =	ssyncadd.s32 $0xFFFFFF80  }
0x54: {  	[spmem:s1] =	stream.indirect.scatter.add.f32 [tilespmem:s16], [sflag:$0x5], $0x1, s17, s14, $0xb8;
	[tilespmem:$0x5480] =	vst v63  }
0x55: {  	_ =	swait.ge [sflag:s12], $0x80  }
0x56: {  	[sflag:s12] =	ssyncset.done $0x0  }
0x57: {  	s17 =	sadd.s32 $0x280, s13;
	[sflag:s12] =	ssyncadd.s32 $0xFFFFFF80  }
0x58: {  	[tilespmem:s16], [sflag:$0x2] =	stream.indirect.gather [hbm4b:s4+s14], $0x1, s17, s14, $0xb8;
	[tilespmem:$0x5480] =	vst v63  }
0x59: {  	_ =	swait.ge [sflag:s23], $0x80  }
0x5a: {  	[sflag:s23] =	ssyncset.done $0x0  }
0x5b: {  	s17 =	sadd.s32 $0x2900, s13;
	[sflag:s23] =	ssyncadd.s32 $0xFFFFFF80  }
0x5c: {  	[spmem:s1] =	stream.indirect.scatter.add.f32 [tilespmem:s18], [sflag:$0x5], $0x1, s17, s14, $0xb8;
	[tilespmem:$0x5480] =	vst v63  }
0x5d: {  	_ =	swait.ge [sflag:s12], $0x80  }
0x5e: {  	[sflag:s12] =	ssyncset.done $0x0  }
0x5f: {  	s17 =	sadd.s32 $0x300, s13;
	[sflag:s12] =	ssyncadd.s32 $0xFFFFFF80  }
0x60: {  	[tilespmem:s18], [sflag:$0x3] =	stream.indirect.gather [hbm4b:s4+s14], $0x1, s17, s14, $0xb8;
	[tilespmem:$0x5480] =	vst v63  }
0x61: {  	_ =	swait.ge [sflag:s24], $0x80  }
0x62: {  	[sflag:s24] =	ssyncset.done $0x0  }
.Ltmp0:
0x63: {  	s17 =	sadd.s32 $0x2980, s13;
	[sflag:s24] =	ssyncadd.s32 $0xFFFFFF80;
	(pc) =	sbr.rel @p0 .LBB2_2-.Ltmp0, $4  }
0x64: {  	[spmem:s1] =	stream.indirect.scatter.add.f32 [tilespmem:s20], [sflag:$0x5], $0x1, s17, s14, $0xb8;
	[tilespmem:$0x5480] =	vst v63  }
0x65: {  	_ =	swait.ge [sflag:s12], $0x80  }
0x66: {  	[sflag:s12] =	ssyncset.done $0x0  }
0x67: {  	s13 =	sadd.s32 $0x380, s13;
	[sflag:s12] =	ssyncadd.s32 $0xFFFFFF80  }
0x68: {  	[tilespmem:s20], [sflag:$0x4] =	stream.indirect.gather [hbm4b:s4+s14], $0x1, s13, s14, $0xb8;
	[tilespmem:$0x5480] =	vst v63  }
0x69: {  	_ =	swait.ge [sflag:s21], $0x80  }
0x6a: {  	[sflag:s21] =	ssyncset.done $0x0  }
0x6b: {  	[sflag:s21] =	ssyncadd.s32 $0xFFFFFF80  }
0x6c: {  	[spmem:s1] =	stream.indirect.scatter.add.f32 [tilespmem:s15], [sflag:$0x5], $0x1, s25, s14, $0xb8;
	[tilespmem:$0x5480] =	vst v63  }
0x6d: {  	_ =	swait.ge [sflag:s12], $0x80  }
0x6e: {  	[sflag:s12] =	ssyncset.done $0x0  }
0x6f: {  	[sflag:s12] =	ssyncadd.s32 $0xFFFFFF80  }
0x70: {  	_ =	swait.ge [sflag:s22], $0x80  }
0x71: {  	[sflag:s22] =	ssyncset.done $0x0  }
0x72: {  	[sflag:s22] =	ssyncadd.s32 $0xFFFFFF80  }
0x73: {  	[spmem:s1] =	stream.indirect.scatter.add.f32 [tilespmem:s16], [sflag:$0x5], $0x1, s26, s14, $0xb8;
	[tilespmem:$0x5480] =	vst v63  }
0x74: {  	_ =	swait.ge [sflag:s12], $0x80  }
0x75: {  	[sflag:s12] =	ssyncset.done $0x0  }
0x76: {  	[sflag:s12] =	ssyncadd.s32 $0xFFFFFF80  }
0x77: {  	_ =	swait.ge [sflag:s23], $0x80  }
0x78: {  	[sflag:s23] =	ssyncset.done $0x0  }
0x79: {  	[sflag:s23] =	ssyncadd.s32 $0xFFFFFF80  }
0x7a: {  	[spmem:s1] =	stream.indirect.scatter.add.f32 [tilespmem:s18], [sflag:$0x5], $0x1, s28, s14, $0xb8;
	[tilespmem:$0x5480] =	vst v63  }
0x7b: {  	_ =	swait.ge [sflag:s12], $0x80  }
0x7c: {  	[sflag:s12] =	ssyncset.done $0x0  }
0x7d: {  	[sflag:s12] =	ssyncadd.s32 $0xFFFFFF80  }
0x7e: {  	_ =	swait.ge [sflag:s24], $0x80  }
0x7f: {  	[sflag:s24] =	ssyncset.done $0x0  }
0x80: {  	[sflag:s24] =	ssyncadd.s32 $0xFFFFFF80  }
0x81: {  	[spmem:s1] =	stream.indirect.scatter.add.f32 [tilespmem:s20], [sflag:$0x5], $0x1, s29, s14, $0xb8;
	[tilespmem:$0x5480] =	vst v63  }
0x82: {  	_ =	swait.ge [sflag:s12], $0x80  }
0x83: {  	s0 =	sadd.s32 $0x1, s0;
	[sflag:s12] =	ssyncset.done $0x0  }
0x84: {  	p0 =	sne.s32 s0, s10;
	[sflag:s12] =	ssyncadd.s32 $0xFFFFFF80  }
.Ltmp1:
0x85: {  	[bflag:$0x0] =	sbarrier.arrive $0xFFFF;
	(pc) =	sbr.rel @p0 .LBB2_1-.Ltmp1, $4  }
0x86: {  	[hbm:s9@s30], [sflag:s6] =	dma.strided [spmem:s11@s31], $0x50, s21, $0x10   }
0x87: {  	_ =	swait.ge [sflag:s12], $0x50  }
0x88: {  	[sflag:s12] =	ssyncset.done $0x0  }
0x89: {  	[sflag:s12] =	ssyncadd.s32 $0xFFFFFFB0  }
0x8a: {  	_ =	sfence.sel $0x180000  }
0x8b: {  	[bflag:$0x0] =	sbarrier.arrive $0xFFFF  }
0x8c: {  	_ =	strace $0x9000004D  }
0x8d: {  	s0 =	stileid.u32;
	[bflag:$0x2] =	sbarrier.arrive $0xFFFF  }
0x8e: {  	p0 =	sne.s32 s0, $0x0;
	s0 =	rddreg [dreg:$0x3]  }
0x8f: {  	s0 =	sadd.s32 @!p0 $0x100000, s0  }
0x90: {  	[sflag:s0] =	ssyncadd.tile.s32 @!p0 $0x1;
	_ =	shalt  }
.Lfunc_end2:
_tile_overlayer_lowered:
.L_overlay_start_2:
0x91: {  	(tag) =	ssettag $0x2  }
0x92: {  	s0 =	rddreg [dreg:$0x0];
	s2 =	stileid.u32  }
0x93: {  	s1 =	rddreg [dreg:$0x1];
	p0 =	sne.s32 s2, $0x0  }
0x94: {  	s3 =	rddreg [dreg:$0x2];
	[bflag:$0x3] =	sbarrier.arrive $0xFFFF;
	s2 =	simm.s32 @!p0 $0x1C05  }
0x95: {  	[timem:s3], [sflag:s2] =	dma.local @!p0 [hbm:s0], s1  }
0x96: {  	s0 =	simm.s32 @!p0 $0x5  }
0x97: {  	_ =	swait.ge @!p0 [sflag:s0], s1  }
0x98: {  	s1 =	ssub.s32 @!p0 $0x0, s1;
	[sflag:s0] =	ssyncset.done @!p0 $0x0  }
0x99: {  	[sflag:s0] =	ssyncadd.s32 @!p0 s1  }
0x9a: {  	[bflag:$0x3] =	sbarrier.arrive $0xFFFF  }
0x9b: {  	_ =	shalt  }

// kernel: kernel.8.cloned.1.call-start
scs
__scs_entry_jumppad:
0x0: {  	(pc) =	sbr.rel $0x88, $3  }
0x1: {  	(tag) =	ssettag $0x0;
	lr =	simm.s32 $0x1  }
0x2: {  	[smem:$0x3F9B] =	sst lr;
	_ =	strace $0xD0000000  }
0x3: {  	_ = 	snop  }
0x4: {  	_ = 	snop  }
0x5: {  	_ = 	snop  }
0x6: {  	_ = 	snop  }
0x7: {  	_ = 	snop  }
__scs_overlays_trampoline_lowered:
0x8: {  	[smem:$0x3FAA] =	sst s0  }
0x9: {  	[smem:$0x3FAB] =	sst s1  }
0xa: {  	[smem:$0x3FAC] =	sst s2  }
0xb: {  	[smem:$0x3FAD] =	sst s3  }
0xc: {  	[smem:$0x3FAE] =	sst s4  }
0xd: {  	[smem:$0x3FAF] =	sst s5  }
0xe: {  	[smem:$0x3FB0] =	sst s6  }
0xf: {  	[smem:$0x3FB1] =	sst s7  }
0x10: {  	[smem:$0x3FB2] =	sst s8  }
0x11: {  	[smem:$0x3FB3] =	sst s9;
	s0 =	simm.s32 @!p0 $0x0  }
0x12: {  	s1 =	sld [smem:$0x3F99];
	s0 =	simm.s32 @p0 $0x1  }
0x13: {  	[smem:$0x3FB4] =	sst s0;
	s0 =	simm.s32 @!p1 $0x0  }
0x14: {  	s2 =	sld [smem:$0x3F98];
	s0 =	simm.s32 @p1 $0x1  }
0x15: {  	[smem:$0x3FB5] =	sst s0;
	s0 =	simm.s32 @!p2 $0x0  }
0x16: {  	s3 =	sld [smem:$0x3FDB];
	s0 =	simm.s32 @p2 $0x1  }
0x17: {  	s4 =	simm.s32 $0x1BF5;
	[smem:$0x3FB7] =	sst s0  }
0x18: {  	s0 =	sld [smem:$0x3F9A];
	_ =	swait.ge [sflag:s4], $0x0  }
0x19: {  	s7 =	sld [smem:$0x3F9B]  }
0x1a: {  	s8 =	sadd.s32 $0xFFFFE003, lr  }
0x1b: {  	s9 =	sadd.s32 $0xFFFFFEF7, lr;
	s5 =	simm.s32 $0xFFFFFFFF;
	p2 =	slt.u32 s8, $0xFFFFF086  }
0x1c: {  	p1 =	slt.u32 s9, $0xF7A;
	s5 =	simm.s32 @!p2 $0x0  }
0x1d: {  	s5 =	simm.s32 @p1 $0x1;
	p0 =	seq.s32 s7, s2  }
0x1e: {  	s7 =	smul.u32 @!p0 $0xF7A, s2;
	p2 =	seq.s32 @!p0 s5, $0x0  }
0x1f: {  	s9 =	smul.u32 $0xF7A, s1;
	s8 =	simm.s32 @!p0 $0x1BF5;
	p2 =	por !p2, p0  }
0x20: {  	[sflag:s8] =	ssyncset.s32 @!p0 $0xFFFFF086;
	s6 =	sadd.s32 @!p0 s3, s7;
	s7 =	simm.s32 @!p0 $0x108  }
0x21: {  	s3 =	sadd.s32 s3, s9;
	s6 =	sadd.s32 @!p0 $0x88, s6;
	s7 =	simm.s32 @p2 $0x1082  }
0x22: {  	[simem:s7], [sflag:s8] =	dma.local @!p0 [hbm:s6], $0xF7A  }
0x23: {  	s9 =	sor.u32 $0xD0000000, s2;
	s6 =	simm.s32 $0x108;
	_ =	swait.ge @!p0 [sflag:s8], $0x0  }
0x24: {  	s3 =	sadd.s32 $0x88, s3;
	s6 =	simm.s32 @!p1 $0x1082;
	[sflag:s4] =	ssyncset.s32 $0xFFFFF086  }
0x25: {  	[simem:s6], [sflag:s4] =	dma.local [hbm:s3], $0xF7A  }
0x26: {  	[smem:$0x3F9B] =	sst s1;
	(tag) =	ssettag s2;
	_ =	strace s9  }
0x27: {  	s1 =	sld [smem:$0x3FAB]  }
0x28: {  	s2 =	sld [smem:$0x3FAC]  }
0x29: {  	s4 =	sld [smem:$0x3FAE]  }
0x2a: {  	p0 =	seq.s32 s5, $0x0;
	s5 =	sld [smem:$0x3FAF]  }
0x2b: {  	s6 =	sld [smem:$0x3FB0]  }
0x2c: {  	s7 =	sld [smem:$0x3FB1]  }
0x2d: {  	s3 =	simm.s32 $0x108;
	s8 =	sld [smem:$0x3FB2]  }
0x2e: {  	s3 =	simm.s32 @!p0 $0x1082;
	s9 =	sld [smem:$0x3FB3]  }
0x2f: {  	lr =	sadd.s32 s0, s3;
	s0 =	sld [smem:$0x3FAA]  }
0x30: {  	s3 =	sld [smem:$0x3FAD]  }
0x31: {  	[smem:$0x3FB6] =	sst s10  }
0x32: {  	s10 =	sld [smem:$0x3FB4];
	_ =	sdelay $0x3  }
0x33: {  	p0 =	seq.s32 s10, $0x1;
	s10 =	sld [smem:$0x3FB6];
	_ =	sdelay $0x3  }
0x34: {  	[smem:$0x3FB6] =	sst s10  }
0x35: {  	s10 =	sld [smem:$0x3FB5];
	_ =	sdelay $0x3  }
0x36: {  	p1 =	seq.s32 s10, $0x1;
	s10 =	sld [smem:$0x3FB6];
	_ =	sdelay $0x3  }
0x37: {  	[smem:$0x3FB6] =	sst s10  }
0x38: {  	s10 =	sld [smem:$0x3FB7]  }
0x39: {  	_ = 	snop;
	(pc) =	sbr.ind lr, $3  }
0x3a: {  	_ = 	snop  }
0x3b: {  	_ = 	snop  }
0x3c: {  	p2 =	seq.s32 s10, $0x1;
	s10 =	sld [smem:$0x3FB6]  }
0x3d: {  	_ =	shalt  }
0x3e: {  	_ =	shalt  }
0x3f: {  	_ =	shalt  }
0x40: {  	_ =	shalt  }
0x41: {  	_ =	shalt  }
0x42: {  	_ =	shalt  }
0x43: {  	_ =	shalt  }
0x44: {  	_ =	shalt  }
0x45: {  	_ =	shalt  }
0x46: {  	_ =	shalt  }
0x47: {  	_ =	shalt  }
0x48: {  	_ =	shalt  }
0x49: {  	_ =	shalt  }
0x4a: {  	_ =	shalt  }
0x4b: {  	_ =	shalt  }
0x4c: {  	_ =	shalt  }
0x4d: {  	_ =	shalt  }
0x4e: {  	_ =	shalt  }
0x4f: {  	_ =	shalt  }
0x50: {  	_ =	shalt  }
0x51: {  	_ =	shalt  }
0x52: {  	_ =	shalt  }
0x53: {  	_ =	shalt  }
0x54: {  	_ =	shalt  }
0x55: {  	_ =	shalt  }
0x56: {  	_ =	shalt  }
0x57: {  	_ =	shalt  }
0x58: {  	_ =	shalt  }
0x59: {  	_ =	shalt  }
0x5a: {  	_ =	shalt  }
0x5b: {  	_ =	shalt  }
0x5c: {  	_ =	shalt  }
0x5d: {  	_ =	shalt  }
0x5e: {  	_ =	shalt  }
0x5f: {  	_ =	shalt  }
0x60: {  	_ =	shalt  }
0x61: {  	_ =	shalt  }
0x62: {  	_ =	shalt  }
0x63: {  	_ =	shalt  }
0x64: {  	_ =	shalt  }
0x65: {  	_ =	shalt  }
0x66: {  	_ =	shalt  }
0x67: {  	_ =	shalt  }
0x68: {  	_ =	shalt  }
0x69: {  	_ =	shalt  }
0x6a: {  	_ =	shalt  }
0x6b: {  	_ =	shalt  }
0x6c: {  	_ =	shalt  }
0x6d: {  	_ =	shalt  }
0x6e: {  	_ =	shalt  }
0x6f: {  	_ =	shalt  }
0x70: {  	_ =	shalt  }
0x71: {  	_ =	shalt  }
0x72: {  	_ =	shalt  }
0x73: {  	_ =	shalt  }
0x74: {  	_ =	shalt  }
0x75: {  	_ =	shalt  }
0x76: {  	_ =	shalt  }
0x77: {  	_ =	shalt  }
0x78: {  	_ =	shalt  }
0x79: {  	_ =	shalt  }
0x7a: {  	_ =	shalt  }
0x7b: {  	_ =	shalt  }
0x7c: {  	_ =	shalt  }
0x7d: {  	_ =	shalt  }
0x7e: {  	_ =	shalt  }
0x7f: {  	_ =	shalt  }
0x80: {  	_ =	shalt  }
0x81: {  	_ =	shalt  }
0x82: {  	_ =	shalt  }
0x83: {  	_ =	shalt  }
0x84: {  	_ =	shalt  }
0x85: {  	_ =	shalt  }
0x86: {  	_ =	shalt  }
0x87: {  	_ =	shalt  }
.Lfunc_end0:
.L_simem_size_0:
called_computation_lowered:
.L_overlay_start_0:
0x88: {  	s2 =	sld [smem:$0x3FD9]  }
0x89: {  	s3 =	sld [smem:$0x3FFE];
	_ =	sdelay $0x1  }
0x8a: {  	s1 =	srdreg.scid  }
0x8b: {  	s0 =	sand.u32 $0x1, s1  }
0x8c: {  	s17 =	sshll.u32 s0, $0xA;
	s2 =	sadd.s32 s3, s2  }
0x8d: {  	s2 =	sadd.s32 s2, s17  }
0x8e: {  	[smem:$0x3FC2] =	sst s2  }
0x8f: {  	_ = 	snop  }
0x90: {  	s2 =	sld [smem:$0x3FD0];
	(tm) =	ssettm $0x1  }
0x91: {  	s18 =	sld [smem:$0x3FFB];
	_ =	sdelay $0x3  }
0x92: {  	_ =	strace s18  }
0x93: {  	s3 =	sld [smem:$0x3FFC];
	_ =	sdelay $0x3  }
0x94: {  	_ =	strace s3  }
0x95: {  	s3 =	sld [smem:$0x3FFD];
	_ =	sdelay $0x3  }
0x96: {  	_ =	strace s3  }
0x97: {  	_ =	strace $0x8FFFFFFF  }
0x98: {  	s19 =	sld [smem:$0x3FDB];
	_ =	sdelay $0x1  }
0x99: {  	s4 =	simm.s32 $_scs_section_size  }
0x9a: {  	s5 =	simm.s32 $_size__tile_overlayer_lowered;
	s6 =	simm.s32 $_tile_overlayer_lowered  }
0x9b: {  	s22 =	simm.s32 $0x1BFF;
	s21 =	sshll.u32 s6, $0x1;
	s3 =	sadd.s32 s4, s19  }
0x9c: {  	s7 =	simm.s32 $0x0;
	s20 =	sshll.u32 s5, $0x1;
	s5 =	sadd.s32 s21, s3  }
0x9d: {  	[timem:s7], [sflag:s22] =	dma.local [hbm:s5], s20  }
0x9e: {  	_ =	swait.ge [sflag:s22], s20  }
0x9f: {  	s4 =	ssub.s32 $0x0, s20;
	[sflag:s22] =	ssyncset.done $0x0  }
0xa0: {  	[sflag:s22] =	ssyncadd.s32 s4;
	_ =	sdelay $0x1  }
0xa1: {  	s23 =	simm.s32 $0x1B8B  }
0xa2: {  	_ =	swait.ge [sflag:s23], $0x1  }
0xa3: {  	[sflag:s23] =	ssyncset.done $0x0  }
0xa4: {  	s25 =	simm.s32 $0x1B8E;
	s24 =	sld [smem:$0x3FFE];
	[sflag:s23] =	ssyncadd.s32 $0xFFFFFFFF  }
0xa5: {  	s26 =	simm.s32 $execute0_lowered;
	[smem:$0x3FD2] =	sst s25  }
0xa6: {  	s5 =	sshll.u32 s26, $0x1;
	_ =	strace $0x80000046;
	[dreg:$0x1] =	wrdreg $0xFFFFFFFF  }
0xa7: {  	s28 =	simm.s32 $_size_execute0_lowered;
	s3 =	sadd.s32 s3, s5;
	[dreg:$0x0] =	wrdreg $0x0  }
0xa8: {  	s5 =	sshll.u32 s28, $0x1;
	[dreg:$0x2] =	wrdreg s3  }
0xa9: {  	[dreg:$0x3] =	wrdreg s5  }
0xaa: {  	[dreg:$0x4] =	wrdreg $0xC0  }
0xab: {  	_ =	task [dreg:s7], $0x5FFFF  }
0xac: {  	[dreg:$0x1] =	wrdreg $0xFFFFFFFF  }
0xad: {  	[dreg:$0x0] =	wrdreg $0x60  }
0xae: {  	[dreg:$0x2] =	wrdreg s24  }
0xaf: {  	[dreg:$0x3] =	wrdreg s2  }
0xb0: {  	[dreg:$0x4] =	wrdreg $0x28800  }
0xb1: {  	[dreg:$0x5] =	wrdreg $0x9  }
0xb2: {  	_ =	task.clear_ibuf [dreg:s7], $0x6FFFF;
	_ =	strace $0x90000046  }
0xb3: {  	s29 =	simm.s32 $0x9;
	_ =	strace $0x80000048  }
0xb4: {  	_ =	swait.ge [sflag:s29], $0x1  }
0xb5: {  	[sflag:s29] =	ssyncadd.s32 $0xFFFFFFFF  }
0xb6: {  	_ =	strace $0x90000048  }
0xb7: {  	_ =	sfence  }
0xb8: {  	s30 =	sld [smem:$0x0];
	_ =	sdelay $0x2  }
0xb9: {  	s31 =	sshll.u32 s1, $0xD;
	s1 =	sshrl.u32 s1, $0x2  }
0xba: {  	s3 =	sand.u32 $0x4000, s31;
	s1 =	sadd.s32 s1, s30  }
0xbb: {  	s0 =	sor.u32 s3, s0;
	s1 =	sshll.u32 s1, $0x11  }
0xbc: {  	s0 =	sor.u32 s1, s0  }
0xbd: {  	s0 =	sadd.s32 $0x8F2B, s0  }
0xbe: {  	[sflag:s0] =	ssyncadd.remote.s32 $0x1  }
0xbf: {  	_ =	sfence.sel $0xFFFF  }
0xc0: {  	[dreg:$0x0] =	wrdreg $0xFFFFFFFF;
	(pc) =	sbr.abs _section_cstart, $3  }
0xc1: {  	[dreg:$0x1] =	wrdreg $0xFFFFFFFF  }
0xc2: {  	_ =	task.clear_ibuf [dreg:s7], $0x2FFFF;
	_ =	strace $0x9FFFFFFF  }
0xc3: {  	(tm) =	ssettm $0x7FFFFFFF  }
tec
execute0_lowered:
.L_overlay_start_1:
0x0: {  	(tag) =	ssettag $0x1  }
0x1: {  	s4 =	rddreg [dreg:$0x0]  }
0x2: {  	s5 =	rddreg [dreg:$0x1]  }
0x3: {  	s2 =	rddreg [dreg:$0x2]  }
0x4: {  	s0 =	rddreg [dreg:$0x3]  }
0x5: {  	s6 =	srdreg.scid;
	s1 =	stileid.u32  }
0x6: {  	s3 =	simm.s32 $0x0;
	s11 =	simm.s32 $0x80;
	s12 =	simm.s32 $0x2800  }
0x7: {  	s13 =	simm.s32 $0x1;
	s14 =	simm.s32 $0x20;
	s15 =	simm.s32 $0x10  }
0x8: {  	s16 =	simm.s32 $0x0;
	s6 =	sand.u32 $0x1, s6;
	s8 =	smul.u32 $0x500, s1  }
0x9: {  	s7 =	sshll.u32 s1, $0x1;
	[smem:$0x7FF] =	sst s3;
	s29 =	smul.u32 $0x280, s1  }
0xa: {  	s31 =	sshll.u32 s1, $0x6;
	s7 =	sor.u32 s6, s7;
	_ =	strace $0x80000047  }
0xb: {  	s9 =	sshll.u32 s6, $0x7;
	s6 =	ssub.s32 $0x2, s6;
	s7 =	smul.u32 $0x500, s7  }
0xc: {  	s8 =	sor.u32 s9, s8;
	s10 =	sshrl.u32 s6, $0x1;
	s30 =	sshrl.u32 s29, $0x3  }
0xd: {  	s9 =	sadd.s32 s29, s2;
	s8 =	sshrl.u32 s8, $0x3;
	s10 =	ssub.s32 s6, s10  }
0xe: {  	s9 =	sshrl.u32 s9, $0x3;
	s7 =	sadd.s32 s7, s4;
	s8 =	sadd.s32 s8, s4  }
0xf: {  	s4 =	sadd.s32 s5, s30;
	s5 =	sor.u32 $0x1C02, s31;
	s6 =	sadd.s32 $0x200, s7  }
0x10: {  	v0 =	vimm.f32 $1.000000000e+00;
	s7 =	sadd.s32 $0xA200, s8;
	s8 =	smax.u32 s10, $0x1;
	s10 =	simm.s32 $0x2  }
.LBB2_1:
0x11: {  	[spmem:s9], [sflag:s5] =	dma.local [hbm:s4], $0x50  }
0x12: {  	_ =	swait.ge [sflag:s10], $0x50  }
0x13: {  	[sflag:s10] =	ssyncset.done $0x0  }
0x14: {  	[sflag:s10] =	ssyncadd.s32 $0xFFFFFFB0  }
0x15: {  	[tilespmem:s3], [sflag:$0x2] =	stream.linear.gather [hbm4b:s6+s3], $0x2800, $0x38;
	[tilespmem:$0x2B00] =	vst v63  }
0x16: {  	_ =	swait.ge [sflag:s10], $0x2800  }
0x17: {  	[sflag:s10] =	ssyncset.done $0x0  }
0x18: {  	[sflag:s10] =	ssyncadd.s32 $0xFFFFD800  }
0x19: {  	[tilespmem:$0x2800] =	vst v0  }
0x1a: {  	[tilespmem:$0x2810] =	vst v0  }
0x1b: {  	[tilespmem:$0x2820] =	vst v0  }
0x1c: {  	[tilespmem:$0x2830] =	vst v0  }
0x1d: {  	[tilespmem:$0x2840] =	vst v0  }
0x1e: {  	[tilespmem:$0x2850] =	vst v0  }
0x1f: {  	[tilespmem:$0x2860] =	vst v0  }
0x20: {  	[tilespmem:$0x2870] =	vst v0  }
0x21: {  	s17 =	simm.s32 $0x0;
	[bflag:$0x0] =	sbarrier.arrive $0xFFFF  }
.LBB2_2:
0x22: {  	p0 =	sne.s32 s17, $0x9E00  }
.Ltmp0:
0x23: {  	_ = 	snop;
	(pc) =	sbr.rel @p0 .LBB2_2-.Ltmp0, $3  }
0x24: {  	_ =	sdelay $0x1  }
0x25: {  	s18 =	sshra.s32 s17, $0x2;
	s17 =	sadd.s32 $0x200, s17  }
0x26: {  	[spmem:s2] =	stream.indirect.scatter.add.f32 [tilespmem:s12], [sflag:$0x1], $0x1, s18, s11, $0xb8;
	[tilespmem:$0x2B00] =	vst v63  }
0x27: {  	_ =	swait.ge [sflag:s13], $0x80  }
0x28: {  	s17 =	simm.s32 $0x4F;
	[sflag:s13] =	ssyncset.done $0x0  }
.LBB2_4:
0x29: {  	p0 =	sne.s32 s17, $0x1;
	s17 =	sadd.s32 $0xFFFFFFFF, s17;
	[sflag:s13] =	ssyncadd.s32 $0xFFFFFF80  }
.Ltmp1:
0x2a: {  	(pc) =	sbr.rel @p0 .LBB2_4-.Ltmp1, $3  }
0x2b: {  	_ =	sdelay $0x1  }
0x2c: {  	_ =	swait.ge [sflag:s13], $0x80  }
0x2d: {  	[sflag:s13] =	ssyncset.done $0x0  }
0x2e: {  	s16 =	sadd.s32 $0x1, s16  }
0x2f: {  	[sflag:s13] =	ssyncadd.s32 $0xFFFFFF80;
	p0 =	sne.s32 s16, s8  }
.Ltmp2:
0x30: {  	[bflag:$0x0] =	sbarrier.arrive $0xFFFF;
	(pc) =	sbr.rel @p0 .LBB2_1-.Ltmp2, $4  }
0x31: {  	[hbm:s7@s14], [sflag:s5] =	dma.strided [spmem:s9@s15], $0x50, s13, $0x10   }
0x32: {  	_ =	swait.ge [sflag:s10], $0x50  }
0x33: {  	[sflag:s10] =	ssyncset.done $0x0  }
0x34: {  	[sflag:s10] =	ssyncadd.s32 $0xFFFFFFB0  }
0x35: {  	_ =	sfence.sel $0x180000  }
0x36: {  	[bflag:$0x0] =	sbarrier.arrive $0xFFFF  }
0x37: {  	p0 =	sne.s32 s1, $0x0;
	_ =	strace $0x90000047  }
0x38: {  	s0 =	sadd.s32 @!p0 $0x100000, s0;
	[bflag:$0x2] =	sbarrier.arrive $0xFFFF  }
0x39: {  	[sflag:s0] =	ssyncadd.tile.s32 @!p0 $0x1;
	_ =	shalt  }
.Lfunc_end2:
_tile_overlayer_lowered:
.L_overlay_start_2:
0x3a: {  	(tag) =	ssettag $0x2  }
0x3b: {  	s0 =	rddreg [dreg:$0x0];
	s2 =	stileid.u32  }
0x3c: {  	s1 =	rddreg [dreg:$0x1];
	p0 =	sne.s32 s2, $0x0  }
0x3d: {  	s3 =	rddreg [dreg:$0x2];
	[bflag:$0x3] =	sbarrier.arrive $0xFFFF;
	s2 =	simm.s32 @!p0 $0x1C02  }
0x3e: {  	[timem:s3], [sflag:s2] =	dma.local @!p0 [hbm:s0], s1  }
0x3f: {  	s0 =	simm.s32 @!p0 $0x2  }
0x40: {  	_ =	swait.ge @!p0 [sflag:s0], s1  }
0x41: {  	s1 =	ssub.s32 @!p0 $0x0, s1;
	[sflag:s0] =	ssyncset.done @!p0 $0x0  }
0x42: {  	[sflag:s0] =	ssyncadd.s32 @!p0 s1  }
0x43: {  	[bflag:$0x3] =	sbarrier.arrive $0xFFFF  }
0x44: {  	_ =	shalt  }

</sc_bundles>
